<compile_context>
chip_gen: v7x
topology: tpu7x:2x2x1
jax: 0.10.2.dev20260603
libtpu: 0.0.44.dev20260713+nightly
codegen_flags: <defaults>
</compile_context>

<pallas_src>
import functools

import jax
import jax.numpy as jnp
from jax import lax
from jax.experimental import pallas as pl
from jax.experimental.pallas import tpu as pltpu
from jax.experimental.pallas import tpu_sc as plsc

N = 10000
E = 320000
NC = 2
NS = 16
NW = NC * NS
EPW = E // NW
CHUNK = 80
NCH = EPW // CHUNK
RPT = 632
NP = RPT * NS

ROW_BLK = 1000


def _make_segsum(W):
  mesh = plsc.VectorSubcoreMesh(
      core_axis_name="c", subcore_axis_name="s",
      num_cores=NC, num_subcores=NS)

  @functools.partial(
      pl.kernel,
      out_type=jax.ShapeDtypeStruct((NC, NP, W), jnp.float32),
      mesh=mesh,
      compiler_params=pltpu.CompilerParams(use_tc_tiling_on_sc=(W == 128)),
      scratch_types=[
          pltpu.VMEM((NCH, CHUNK), jnp.int32),
          pltpu.VMEM((NCH, CHUNK), jnp.int32),
          pltpu.VMEM((CHUNK, W), jnp.float32),
          pltpu.VMEM_SHARED((NP, W), jnp.float32),
          pltpu.SemaphoreType.DMA,
      ],
  )
  def segsum(g_hbm, src_hbm, dst_hbm, zeros_hbm, out_hbm, src_v, dst_v, gbuf,
             acc, sem):
    c = lax.axis_index("c")
    s = lax.axis_index("s")
    wid = c * NS + s

    pltpu.sync_copy(src_hbm.at[wid], src_v)
    pltpu.sync_copy(dst_hbm.at[wid], dst_v)

    pltpu.sync_copy(zeros_hbm, acc.at[pl.ds(s * RPT, RPT), :])
    plsc.subcore_barrier()

    def chunk_body(j, _):
      pltpu.async_copy(g_hbm.at[src_v.at[j]], gbuf, sem).wait()
      pltpu.sync_copy(gbuf, acc.at[dst_v.at[j]], add=True)
      return 0

    lax.fori_loop(0, NCH, chunk_body, 0)
    plsc.subcore_barrier()

    pltpu.sync_copy(acc.at[pl.ds(s * RPT, RPT), :],
                    out_hbm.at[c, pl.ds(s * RPT, RPT), :])

  return segsum


_segsum_128 = _make_segsum(128)
_segsum_64 = _make_segsum(64)

_P = lax.Precision.HIGHEST


def _mm_body(x_ref, w_ref, o_ref):
  o_ref[...] = jnp.dot(x_ref[...], w_ref[...],
                       preferred_element_type=jnp.float32, precision=_P)


def _mid_body(g_ref, sa_ref, sb_ref, b1_ref, w2_ref, b2_ref, w1n_ref, o_ref):
  z = jnp.maximum(g_ref[...] + sa_ref[...] + sb_ref[...] + b1_ref[...], 0.0)
  h = jnp.dot(z, w2_ref[...], preferred_element_type=jnp.float32,
              precision=_P) + b2_ref[...]
  h = jnp.maximum(h, 0.0)
  o_ref[...] = jnp.dot(h, w1n_ref[...], preferred_element_type=jnp.float32,
                       precision=_P)


def _final_body(g_ref, sa_ref, sb_ref, b1_ref, w2_ref, b2_ref, o_ref):
  z = jnp.maximum(g_ref[...] + sa_ref[...] + sb_ref[...] + b1_ref[...], 0.0)
  o_ref[...] = jnp.dot(z, w2_ref[...], preferred_element_type=jnp.float32,
                       precision=_P) + b2_ref[...]


def _row_spec(w):
  return pl.BlockSpec((ROW_BLK, w), lambda i: (i, 0))


def _full_spec(r, w):
  return pl.BlockSpec((r, w), lambda i: (0, 0))


def _mm(x, w):
  n, k = x.shape
  m = w.shape[1]
  return pl.pallas_call(
      _mm_body,
      grid=(n // ROW_BLK,),
      in_specs=[_row_spec(k), _full_spec(k, m)],
      out_specs=_row_spec(m),
      out_shape=jax.ShapeDtypeStruct((n, m), jnp.float32),
  )(x, w)


def _mid(g, sa, sb, b1, w2, b2, w1n):
  n, k = g.shape
  m = w1n.shape[1]
  return pl.pallas_call(
      _mid_body,
      grid=(n // ROW_BLK,),
      in_specs=[_row_spec(k), _row_spec(k), _row_spec(k),
                _full_spec(1, k), _full_spec(k, k), _full_spec(1, k),
                _full_spec(k, m)],
      out_specs=_row_spec(m),
      out_shape=jax.ShapeDtypeStruct((n, m), jnp.float32),
  )(g, sa, sb, b1, w2, b2, w1n)


def _final(g, sa, sb, b1, w2, b2):
  n, k = g.shape
  m = w2.shape[1]
  return pl.pallas_call(
      _final_body,
      grid=(n // ROW_BLK,),
      in_specs=[_row_spec(k), _row_spec(k), _row_spec(k),
                _full_spec(1, k), _full_spec(k, m), _full_spec(1, m)],
      out_specs=_row_spec(m),
      out_shape=jax.ShapeDtypeStruct((n, m), jnp.float32),
  )(g, sa, sb, b1, w2, b2)


def kernel(x, edge_index, W1_0, b1_0, W2_0, b2_0, W1_1, b1_1, W2_1, b2_1,
           W1_2, b1_2, W2_2, b2_2):
  src = edge_index[0].astype(jnp.int32).reshape(NW, NCH, CHUNK)
  dst = edge_index[1].astype(jnp.int32).reshape(NW, NCH, CHUNK)

  W1_2p = jnp.pad(W1_2, ((0, 0), (0, 24)))
  b1_2p = jnp.pad(b1_2, (0, 24)).reshape(1, 64)
  W2_2p = jnp.pad(W2_2, ((0, 24), (0, 0)))

  b1_0r = b1_0.reshape(1, 128)
  b2_0r = b2_0.reshape(1, 128)
  b1_1r = b1_1.reshape(1, 128)
  b2_1r = b2_1.reshape(1, 128)
  b2_2r = b2_2.reshape(1, 40)

  z128 = jnp.zeros((RPT, 128), jnp.float32)
  z64 = jnp.zeros((RPT, 64), jnp.float32)

  g0 = _mm(x, W1_0)
  s0 = _segsum_128(g0, src, dst, z128)
  g1 = _mid(g0, s0[0], s0[1], b1_0r, W2_0, b2_0r, W1_1)
  s1 = _segsum_128(g1, src, dst, z128)
  g2 = _mid(g1, s1[0], s1[1], b1_1r, W2_1, b2_1r, W1_2p)
  s2 = _segsum_64(g2, src, dst, z64)
  return _final(g2, s2[0], s2[1], b1_2p, W2_2p, b2_2r)

# --- scband reference (transcript-rebuilt; emitter-appended) ---
"""Pipeline reference for scband-ginnetwork-14731737825909 (READ-ONLY COPY).

The authoritative reference and input builder live on the scoring server;
editing this copy changes nothing except your own understanding.
"""

import jax, jax.numpy as jnp
import numpy as np

N = 10000
E = 320000
D_IN = 128
D_H = 128
D_OUT = 40


def setup_inputs(seed: int = 0) -> dict:
    key = jax.random.key(seed)
    ks = jax.random.split(key, 16)
    x = jax.random.normal(ks[0], (N, D_IN), dtype=jnp.float32)
    edge_index = jax.random.randint(ks[1], (2, E), 0, N)
    dims = [(D_IN, D_H), (D_H, D_H), (D_H, D_OUT)]
    inp = {"x": x, "edge_index": edge_index}
    ki = 2
    for l, (din, dout) in enumerate(dims):
        s1 = 1.0 / np.sqrt(din)
        s2 = 1.0 / np.sqrt(dout)
        inp[f"W1_{l}"] = jax.random.uniform(ks[ki + 0], (din, dout), jnp.float32, -s1, s1)
        inp[f"b1_{l}"] = jax.random.uniform(ks[ki + 1], (dout,), jnp.float32, -s1, s1)
        inp[f"W2_{l}"] = jax.random.uniform(ks[ki + 2], (dout, dout), jnp.float32, -s2, s2)
        inp[f"b2_{l}"] = jax.random.uniform(ks[ki + 3], (dout,), jnp.float32, -s2, s2)
        ki += 4
    return inp


def _gin_conv(h, src, dst, W1, b1, W2, b2):
    # sum aggregation of neighbor messages (gather from src, scatter-add at dst)
    agg = jax.ops.segment_sum(h[src], dst, num_segments=h.shape[0])
    # GINConv: MLP((1 + eps) * x + aggr);  eps = 0 (default, train_eps=False)
    z = h + agg
    z = z @ W1 + b1
    z = jax.nn.relu(z)  # MLP hidden activation (BatchNorm at default eval stats is identity)
    z = z @ W2 + b2
    return z


def reference(x, edge_index, W1_0, b1_0, W2_0, b2_0, W1_1, b1_1, W2_1, b2_1, W1_2, b1_2, W2_2, b2_2):
    src = edge_index[0]
    dst = edge_index[1]
    params = [
        (W1_0, b1_0, W2_0, b2_0),
        (W1_1, b1_1, W2_1, b2_1),
        (W1_2, b1_2, W2_2, b2_2),
    ]
    h = x
    for i, (W1, b1, W2, b2) in enumerate(params):
        h = _gin_conv(h, src, dst, W1, b1, W2, b2)
        if i < len(params) - 1:
            h = jax.nn.relu(h)  # inter-layer activation in BasicGNN
    return h

if __name__ == "__main__":
    import jax
    _d = setup_inputs()
    print(jax.jit(kernel)(*tuple(_d.values())))

</pallas_src>

<mosaic_0001>
#map = affine_map<(d0, d1) -> (0, 0)>
#map1 = affine_map<(d0, d1) -> (0, 0, 0)>
module attributes {stable_mosaic.version = 14 : i64} {
  func.func @segsum(%arg0: i32, %arg1: i32, %arg2: memref<10000x128xf32, #tpu.memory_space<hbm>>, %arg3: memref<32x125x80xi32, #tpu.memory_space<hbm>>, %arg4: memref<32x125x80xi32, #tpu.memory_space<hbm>>, %arg5: memref<632x128xf32, #tpu.memory_space<hbm>>, %arg6: memref<2x10112x128xf32, #tpu.memory_space<hbm>>, %arg7: memref<125x80xi32, #tpu.memory_space<vmem>>, %arg8: memref<125x80xi32, #tpu.memory_space<vmem>>, %arg9: memref<80x128xf32, #tpu.memory_space<vmem>>, %arg10: memref<10112x128xf32, #tpu.memory_space<vmem_shared>>, %arg11: memref<!tpu.dma_semaphore, #tpu.memory_space<semaphore_mem>>) attributes {dimension_semantics = [#tpu.dimension_semantics<core_parallel>, #tpu.dimension_semantics<subcore_parallel>], iteration_bounds = array<i64: 2, 16>, scalar_prefetch = 0 : i64, scratch_operands = 5 : i64, tpu.core_type = #tpu.core_type<sc_vector_subcore>, window_params = [{transform_indices = #map}, {transform_indices = #map1}, {transform_indices = #map1}, {transform_indices = #map}, {transform_indices = #map1}]} {
    %mul3A = arith.constant 16 : i32
    %mul3A_0 = arith.muli %arg0, %mul3A : i32
    %add3A = arith.addi %mul3A_0, %arg1 : i32
    "tpu.region"() ({
      %run_scoped3A = tpu.sem_alloc : memref<!tpu.dma_semaphore, #tpu.memory_space<semaphore_mem>>
      %dma_start3A = arith.constant 0 : i32
      %dma_start3A_14 = arith.constant 0 : i32
      %dma_start3A_15 = tpu.memref_slice %arg3[%add3A, %dma_start3A, %dma_start3A_14] : memref<32x125x80xi32, #tpu.memory_space<hbm>> -> memref<1x125x80xi32, #tpu.memory_space<hbm>>
      %dma_start3A_16 = tpu.memref_squeeze %dma_start3A_15 : memref<1x125x80xi32, #tpu.memory_space<hbm>> -> memref<125x80xi32, #tpu.memory_space<hbm>>
      %dma_start3A_17 = arith.constant 0 : i32
      %dma_start3A_18 = arith.constant 0 : i32
      %dma_start3A_19 = tpu.memref_slice %arg3[%add3A, %dma_start3A_17, %dma_start3A_18] : memref<32x125x80xi32, #tpu.memory_space<hbm>> -> memref<1x125x80xi32, #tpu.memory_space<hbm>>
      %dma_start3A_20 = tpu.memref_squeeze %dma_start3A_19 : memref<1x125x80xi32, #tpu.memory_space<hbm>> -> memref<125x80xi32, #tpu.memory_space<hbm>>
      tpu.enqueue_dma source(%dma_start3A_20 : memref<125x80xi32, #tpu.memory_space<hbm>>) target(%arg7 : memref<125x80xi32, #tpu.memory_space<vmem>>) target_semaphore(%run_scoped3A : memref<!tpu.dma_semaphore, #tpu.memory_space<semaphore_mem>>)
      %dma_wait3A = arith.constant 0 : i32
      %dma_wait3A_21 = arith.constant 0 : i32
      %dma_wait3A_22 = tpu.memref_slice %arg3[%add3A, %dma_wait3A, %dma_wait3A_21] : memref<32x125x80xi32, #tpu.memory_space<hbm>> -> memref<1x125x80xi32, #tpu.memory_space<hbm>>
      %dma_wait3A_23 = tpu.memref_squeeze %dma_wait3A_22 : memref<1x125x80xi32, #tpu.memory_space<hbm>> -> memref<125x80xi32, #tpu.memory_space<hbm>>
      %dma_wait3A_24 = arith.constant 0 : i32
      %dma_wait3A_25 = arith.constant 0 : i32
      %dma_wait3A_26 = tpu.memref_slice %arg3[%add3A, %dma_wait3A_24, %dma_wait3A_25] : memref<32x125x80xi32, #tpu.memory_space<hbm>> -> memref<1x125x80xi32, #tpu.memory_space<hbm>>
      %dma_wait3A_27 = tpu.memref_squeeze %dma_wait3A_26 : memref<1x125x80xi32, #tpu.memory_space<hbm>> -> memref<125x80xi32, #tpu.memory_space<hbm>>
      tpu.wait_dma2 semaphore(%run_scoped3A : memref<!tpu.dma_semaphore, #tpu.memory_space<semaphore_mem>>) src(%dma_wait3A_27 : memref<125x80xi32, #tpu.memory_space<hbm>>) dst(%arg7 : memref<125x80xi32, #tpu.memory_space<vmem>>)
      tpu.yield
    }) : () -> ()
    "tpu.region"() ({
      %run_scoped3A = tpu.sem_alloc : memref<!tpu.dma_semaphore, #tpu.memory_space<semaphore_mem>>
      %dma_start3A = arith.constant 0 : i32
      %dma_start3A_14 = arith.constant 0 : i32
      %dma_start3A_15 = tpu.memref_slice %arg4[%add3A, %dma_start3A, %dma_start3A_14] : memref<32x125x80xi32, #tpu.memory_space<hbm>> -> memref<1x125x80xi32, #tpu.memory_space<hbm>>
      %dma_start3A_16 = tpu.memref_squeeze %dma_start3A_15 : memref<1x125x80xi32, #tpu.memory_space<hbm>> -> memref<125x80xi32, #tpu.memory_space<hbm>>
      %dma_start3A_17 = arith.constant 0 : i32
      %dma_start3A_18 = arith.constant 0 : i32
      %dma_start3A_19 = tpu.memref_slice %arg4[%add3A, %dma_start3A_17, %dma_start3A_18] : memref<32x125x80xi32, #tpu.memory_space<hbm>> -> memref<1x125x80xi32, #tpu.memory_space<hbm>>
      %dma_start3A_20 = tpu.memref_squeeze %dma_start3A_19 : memref<1x125x80xi32, #tpu.memory_space<hbm>> -> memref<125x80xi32, #tpu.memory_space<hbm>>
      tpu.enqueue_dma source(%dma_start3A_20 : memref<125x80xi32, #tpu.memory_space<hbm>>) target(%arg8 : memref<125x80xi32, #tpu.memory_space<vmem>>) target_semaphore(%run_scoped3A : memref<!tpu.dma_semaphore, #tpu.memory_space<semaphore_mem>>)
      %dma_wait3A = arith.constant 0 : i32
      %dma_wait3A_21 = arith.constant 0 : i32
      %dma_wait3A_22 = tpu.memref_slice %arg4[%add3A, %dma_wait3A, %dma_wait3A_21] : memref<32x125x80xi32, #tpu.memory_space<hbm>> -> memref<1x125x80xi32, #tpu.memory_space<hbm>>
      %dma_wait3A_23 = tpu.memref_squeeze %dma_wait3A_22 : memref<1x125x80xi32, #tpu.memory_space<hbm>> -> memref<125x80xi32, #tpu.memory_space<hbm>>
      %dma_wait3A_24 = arith.constant 0 : i32
      %dma_wait3A_25 = arith.constant 0 : i32
      %dma_wait3A_26 = tpu.memref_slice %arg4[%add3A, %dma_wait3A_24, %dma_wait3A_25] : memref<32x125x80xi32, #tpu.memory_space<hbm>> -> memref<1x125x80xi32, #tpu.memory_space<hbm>>
      %dma_wait3A_27 = tpu.memref_squeeze %dma_wait3A_26 : memref<1x125x80xi32, #tpu.memory_space<hbm>> -> memref<125x80xi32, #tpu.memory_space<hbm>>
      tpu.wait_dma2 semaphore(%run_scoped3A : memref<!tpu.dma_semaphore, #tpu.memory_space<semaphore_mem>>) src(%dma_wait3A_27 : memref<125x80xi32, #tpu.memory_space<hbm>>) dst(%arg8 : memref<125x80xi32, #tpu.memory_space<vmem>>)
      tpu.yield
    }) : () -> ()
    %mul3A_1 = arith.constant 632 : i32
    %mul3A_2 = arith.muli %arg1, %mul3A_1 : i32
    "tpu.region"() ({
      %run_scoped3A = tpu.sem_alloc : memref<!tpu.dma_semaphore, #tpu.memory_space<semaphore_mem>>
      %dma_start3A = arith.constant 0 : i32
      %dma_start3A_14 = tpu.memref_slice %arg10[%mul3A_2, %dma_start3A] : memref<10112x128xf32, #tpu.memory_space<vmem_shared>> -> memref<632x128xf32, #tpu.memory_space<vmem_shared>>
      tpu.enqueue_dma source(%arg5 : memref<632x128xf32, #tpu.memory_space<hbm>>) target(%dma_start3A_14 : memref<632x128xf32, #tpu.memory_space<vmem_shared>>) target_semaphore(%run_scoped3A : memref<!tpu.dma_semaphore, #tpu.memory_space<semaphore_mem>>)
      %dma_wait3A = arith.constant 0 : i32
      %dma_wait3A_15 = tpu.memref_slice %arg10[%mul3A_2, %dma_wait3A] : memref<10112x128xf32, #tpu.memory_space<vmem_shared>> -> memref<632x128xf32, #tpu.memory_space<vmem_shared>>
      tpu.wait_dma2 semaphore(%run_scoped3A : memref<!tpu.dma_semaphore, #tpu.memory_space<semaphore_mem>>) src(%arg5 : memref<632x128xf32, #tpu.memory_space<hbm>>) dst(%dma_wait3A_15 : memref<632x128xf32, #tpu.memory_space<vmem_shared>>)
      tpu.yield
    }) : () -> ()
    %barrier3A = arith.constant 0 : index
    tpu.barrier barrier_id(%barrier3A)
    %scan3A = arith.constant 0 : i32
    %scan3A_3 = arith.constant 0 : i32
    %scan3A_4 = arith.constant 125 : i32
    %scan3A_5 = arith.addi %scan3A_3, %scan3A_4 : i32
    %scan3A_6 = arith.constant 1 : i32
    %scan3A_7 = scf.for %scan3A_14 = %scan3A_3 to %scan3A_5 step %scan3A_6 iter_args(%scan3A_15 = %scan3A) -> (i32)  : i32 {
      %dma_start3A = arith.constant 0 : i32
      %dma_start3A_16 = tpu.memref_slice %arg7[%scan3A_14, %dma_start3A] : memref<125x80xi32, #tpu.memory_space<vmem>> -> memref<1x80xi32, #tpu.memory_space<vmem>>
      %dma_start3A_17 = tpu.memref_squeeze %dma_start3A_16 : memref<1x80xi32, #tpu.memory_space<vmem>> -> memref<80xi32, #tpu.memory_space<vmem>>
      %dma_start3A_18 = arith.constant 0 : i32
      %dma_start3A_19 = arith.constant 0 : i32
      %dma_start3A_20 = tpu.memref_slice %arg2[%dma_start3A_18, %dma_start3A_19] : memref<10000x128xf32, #tpu.memory_space<hbm>> -> memref<10000x128xf32, #tpu.memory_space<hbm>>
      tpu.enqueue_indirect_dma source(%dma_start3A_20 : memref<10000x128xf32, #tpu.memory_space<hbm>>) target(%arg9 : memref<80x128xf32, #tpu.memory_space<vmem>>) offsets(%dma_start3A_17 : memref<80xi32, #tpu.memory_space<vmem>>) semaphore(%arg11 : memref<!tpu.dma_semaphore, #tpu.memory_space<semaphore_mem>>)
      %dma_wait3A = arith.constant 0 : i32
      %dma_wait3A_21 = tpu.memref_slice %arg7[%scan3A_14, %dma_wait3A] : memref<125x80xi32, #tpu.memory_space<vmem>> -> memref<1x80xi32, #tpu.memory_space<vmem>>
      %dma_wait3A_22 = tpu.memref_squeeze %dma_wait3A_21 : memref<1x80xi32, #tpu.memory_space<vmem>> -> memref<80xi32, #tpu.memory_space<vmem>>
      %dma_wait3A_23 = arith.constant 0 : i32
      %dma_wait3A_24 = arith.constant 0 : i32
      %dma_wait3A_25 = tpu.memref_slice %arg2[%dma_wait3A_23, %dma_wait3A_24] : memref<10000x128xf32, #tpu.memory_space<hbm>> -> memref<10000x128xf32, #tpu.memory_space<hbm>>
      tpu.wait_indirect_dma semaphore(%arg11 : memref<!tpu.dma_semaphore, #tpu.memory_space<semaphore_mem>>) src(%dma_wait3A_25 : memref<10000x128xf32, #tpu.memory_space<hbm>>) dst(%arg9 : memref<80x128xf32, #tpu.memory_space<vmem>>)
      "tpu.region"() ({
        %run_scoped3A = tpu.sem_alloc : memref<!tpu.dma_semaphore, #tpu.memory_space<semaphore_mem>>
        %dma_start3A_27 = arith.constant 0 : i32
        %dma_start3A_28 = tpu.memref_slice %arg8[%scan3A_14, %dma_start3A_27] : memref<125x80xi32, #tpu.memory_space<vmem>> -> memref<1x80xi32, #tpu.memory_space<vmem>>
        %dma_start3A_29 = tpu.memref_squeeze %dma_start3A_28 : memref<1x80xi32, #tpu.memory_space<vmem>> -> memref<80xi32, #tpu.memory_space<vmem>>
        %dma_start3A_30 = arith.constant 0 : i32
        %dma_start3A_31 = arith.constant 0 : i32
        %dma_start3A_32 = tpu.memref_slice %arg10[%dma_start3A_30, %dma_start3A_31] : memref<10112x128xf32, #tpu.memory_space<vmem_shared>> -> memref<10112x128xf32, #tpu.memory_space<vmem_shared>>
        tpu.enqueue_indirect_dma source(%arg9 : memref<80x128xf32, #tpu.memory_space<vmem>>) target(%dma_start3A_32 : memref<10112x128xf32, #tpu.memory_space<vmem_shared>>) offsets(%dma_start3A_29 : memref<80xi32, #tpu.memory_space<vmem>>) semaphore(%run_scoped3A : memref<!tpu.dma_semaphore, #tpu.memory_space<semaphore_mem>>) {add = true}
        %dma_wait3A_33 = arith.constant 0 : i32
        %dma_wait3A_34 = tpu.memref_slice %arg8[%scan3A_14, %dma_wait3A_33] : memref<125x80xi32, #tpu.memory_space<vmem>> -> memref<1x80xi32, #tpu.memory_space<vmem>>
        %dma_wait3A_35 = tpu.memref_squeeze %dma_wait3A_34 : memref<1x80xi32, #tpu.memory_space<vmem>> -> memref<80xi32, #tpu.memory_space<vmem>>
        %dma_wait3A_36 = arith.constant 0 : i32
        %dma_wait3A_37 = arith.constant 0 : i32
        %dma_wait3A_38 = tpu.memref_slice %arg10[%dma_wait3A_36, %dma_wait3A_37] : memref<10112x128xf32, #tpu.memory_space<vmem_shared>> -> memref<10112x128xf32, #tpu.memory_space<vmem_shared>>
        tpu.wait_indirect_dma semaphore(%run_scoped3A : memref<!tpu.dma_semaphore, #tpu.memory_space<semaphore_mem>>) src(%arg9 : memref<80x128xf32, #tpu.memory_space<vmem>>) dst(%dma_wait3A_38 : memref<10112x128xf32, #tpu.memory_space<vmem_shared>>)
        tpu.yield
      }) : () -> ()
      %scan3A_26 = arith.constant 0 : i32
      scf.yield %scan3A_26 : i32
    }
    %scan3A_8 = arith.constant 125 : i32
    %barrier3A_9 = arith.constant 0 : index
    tpu.barrier barrier_id(%barrier3A_9)
    %mul3A_10 = arith.constant 632 : i32
    %mul3A_11 = arith.muli %arg1, %mul3A_10 : i32
    %mul3A_12 = arith.constant 632 : i32
    %mul3A_13 = arith.muli %arg1, %mul3A_12 : i32
    "tpu.region"() ({
      %run_scoped3A = tpu.sem_alloc : memref<!tpu.dma_semaphore, #tpu.memory_space<semaphore_mem>>
      %dma_start3A = arith.constant 0 : i32
      %dma_start3A_14 = tpu.memref_slice %arg6[%arg0, %mul3A_13, %dma_start3A] : memref<2x10112x128xf32, #tpu.memory_space<hbm>> -> memref<1x632x128xf32, #tpu.memory_space<hbm>>
      %dma_start3A_15 = tpu.memref_squeeze %dma_start3A_14 : memref<1x632x128xf32, #tpu.memory_space<hbm>> -> memref<632x128xf32, #tpu.memory_space<hbm>>
      %dma_start3A_16 = arith.constant 0 : i32
      %dma_start3A_17 = tpu.memref_slice %arg10[%mul3A_11, %dma_start3A_16] : memref<10112x128xf32, #tpu.memory_space<vmem_shared>> -> memref<632x128xf32, #tpu.memory_space<vmem_shared>>
      tpu.enqueue_dma source(%dma_start3A_17 : memref<632x128xf32, #tpu.memory_space<vmem_shared>>) target(%dma_start3A_15 : memref<632x128xf32, #tpu.memory_space<hbm>>) target_semaphore(%run_scoped3A : memref<!tpu.dma_semaphore, #tpu.memory_space<semaphore_mem>>)
      %dma_wait3A = arith.constant 0 : i32
      %dma_wait3A_18 = tpu.memref_slice %arg6[%arg0, %mul3A_13, %dma_wait3A] : memref<2x10112x128xf32, #tpu.memory_space<hbm>> -> memref<1x632x128xf32, #tpu.memory_space<hbm>>
      %dma_wait3A_19 = tpu.memref_squeeze %dma_wait3A_18 : memref<1x632x128xf32, #tpu.memory_space<hbm>> -> memref<632x128xf32, #tpu.memory_space<hbm>>
      %dma_wait3A_20 = arith.constant 0 : i32
      %dma_wait3A_21 = tpu.memref_slice %arg10[%mul3A_11, %dma_wait3A_20] : memref<10112x128xf32, #tpu.memory_space<vmem_shared>> -> memref<632x128xf32, #tpu.memory_space<vmem_shared>>
      tpu.wait_dma2 semaphore(%run_scoped3A : memref<!tpu.dma_semaphore, #tpu.memory_space<semaphore_mem>>) src(%dma_wait3A_21 : memref<632x128xf32, #tpu.memory_space<vmem_shared>>) dst(%dma_wait3A_19 : memref<632x128xf32, #tpu.memory_space<hbm>>)
      tpu.yield
    }) : () -> ()
    return
  }
}

#map = affine_map<(d0, d1) -> (0, 0)>
#map1 = affine_map<(d0, d1) -> (0, 0, 0)>
module attributes {stable_mosaic.version = 14 : i64} {
  func.func @segsum(%arg0: i32, %arg1: i32, %arg2: memref<10000x128xf32, #tpu.memory_space<hbm>>, %arg3: memref<32x125x80xi32, #tpu.memory_space<hbm>>, %arg4: memref<32x125x80xi32, #tpu.memory_space<hbm>>, %arg5: memref<632x128xf32, #tpu.memory_space<hbm>>, %arg6: memref<2x10112x128xf32, #tpu.memory_space<hbm>>, %arg7: memref<125x80xi32, #tpu.memory_space<vmem>>, %arg8: memref<125x80xi32, #tpu.memory_space<vmem>>, %arg9: memref<80x128xf32, #tpu.memory_space<vmem>>, %arg10: memref<10112x128xf32, #tpu.memory_space<vmem_shared>>, %arg11: memref<!tpu.dma_semaphore, #tpu.memory_space<semaphore_mem>>) attributes {dimension_semantics = [#tpu.dimension_semantics<core_parallel>, #tpu.dimension_semantics<subcore_parallel>], iteration_bounds = array<i64: 2, 16>, scalar_prefetch = 0 : i64, scratch_operands = 5 : i64, tpu.core_type = #tpu.core_type<sc_vector_subcore>, window_params = [{transform_indices = #map}, {transform_indices = #map1}, {transform_indices = #map1}, {transform_indices = #map}, {transform_indices = #map1}]} {
    %mul3A = arith.constant 16 : i32
    %mul3A_0 = arith.muli %arg0, %mul3A : i32
    %add3A = arith.addi %mul3A_0, %arg1 : i32
    "tpu.region"() ({
      %run_scoped3A = tpu.sem_alloc : memref<!tpu.dma_semaphore, #tpu.memory_space<semaphore_mem>>
      %dma_start3A = arith.constant 0 : i32
      %dma_start3A_14 = arith.constant 0 : i32
      %dma_start3A_15 = tpu.memref_slice %arg3[%add3A, %dma_start3A, %dma_start3A_14] : memref<32x125x80xi32, #tpu.memory_space<hbm>> -> memref<1x125x80xi32, #tpu.memory_space<hbm>>
      %dma_start3A_16 = tpu.memref_squeeze %dma_start3A_15 : memref<1x125x80xi32, #tpu.memory_space<hbm>> -> memref<125x80xi32, #tpu.memory_space<hbm>>
      %dma_start3A_17 = arith.constant 0 : i32
      %dma_start3A_18 = arith.constant 0 : i32
      %dma_start3A_19 = tpu.memref_slice %arg3[%add3A, %dma_start3A_17, %dma_start3A_18] : memref<32x125x80xi32, #tpu.memory_space<hbm>> -> memref<1x125x80xi32, #tpu.memory_space<hbm>>
      %dma_start3A_20 = tpu.memref_squeeze %dma_start3A_19 : memref<1x125x80xi32, #tpu.memory_space<hbm>> -> memref<125x80xi32, #tpu.memory_space<hbm>>
      tpu.enqueue_dma source(%dma_start3A_20 : memref<125x80xi32, #tpu.memory_space<hbm>>) target(%arg7 : memref<125x80xi32, #tpu.memory_space<vmem>>) target_semaphore(%run_scoped3A : memref<!tpu.dma_semaphore, #tpu.memory_space<semaphore_mem>>)
      %dma_wait3A = arith.constant 0 : i32
      %dma_wait3A_21 = arith.constant 0 : i32
      %dma_wait3A_22 = tpu.memref_slice %arg3[%add3A, %dma_wait3A, %dma_wait3A_21] : memref<32x125x80xi32, #tpu.memory_space<hbm>> -> memref<1x125x80xi32, #tpu.memory_space<hbm>>
      %dma_wait3A_23 = tpu.memref_squeeze %dma_wait3A_22 : memref<1x125x80xi32, #tpu.memory_space<hbm>> -> memref<125x80xi32, #tpu.memory_space<hbm>>
      %dma_wait3A_24 = arith.constant 0 : i32
      %dma_wait3A_25 = arith.constant 0 : i32
      %dma_wait3A_26 = tpu.memref_slice %arg3[%add3A, %dma_wait3A_24, %dma_wait3A_25] : memref<32x125x80xi32, #tpu.memory_space<hbm>> -> memref<1x125x80xi32, #tpu.memory_space<hbm>>
      %dma_wait3A_27 = tpu.memref_squeeze %dma_wait3A_26 : memref<1x125x80xi32, #tpu.memory_space<hbm>> -> memref<125x80xi32, #tpu.memory_space<hbm>>
      tpu.wait_dma2 semaphore(%run_scoped3A : memref<!tpu.dma_semaphore, #tpu.memory_space<semaphore_mem>>) src(%dma_wait3A_27 : memref<125x80xi32, #tpu.memory_space<hbm>>) dst(%arg7 : memref<125x80xi32, #tpu.memory_space<vmem>>)
      tpu.yield
    }) : () -> ()
    "tpu.region"() ({
      %run_scoped3A = tpu.sem_alloc : memref<!tpu.dma_semaphore, #tpu.memory_space<semaphore_mem>>
      %dma_start3A = arith.constant 0 : i32
      %dma_start3A_14 = arith.constant 0 : i32
      %dma_start3A_15 = tpu.memref_slice %arg4[%add3A, %dma_start3A, %dma_start3A_14] : memref<32x125x80xi32, #tpu.memory_space<hbm>> -> memref<1x125x80xi32, #tpu.memory_space<hbm>>
      %dma_start3A_16 = tpu.memref_squeeze %dma_start3A_15 : memref<1x125x80xi32, #tpu.memory_space<hbm>> -> memref<125x80xi32, #tpu.memory_space<hbm>>
      %dma_start3A_17 = arith.constant 0 : i32
      %dma_start3A_18 = arith.constant 0 : i32
      %dma_start3A_19 = tpu.memref_slice %arg4[%add3A, %dma_start3A_17, %dma_start3A_18] : memref<32x125x80xi32, #tpu.memory_space<hbm>> -> memref<1x125x80xi32, #tpu.memory_space<hbm>>
      %dma_start3A_20 = tpu.memref_squeeze %dma_start3A_19 : memref<1x125x80xi32, #tpu.memory_space<hbm>> -> memref<125x80xi32, #tpu.memory_space<hbm>>
      tpu.enqueue_dma source(%dma_start3A_20 : memref<125x80xi32, #tpu.memory_space<hbm>>) target(%arg8 : memref<125x80xi32, #tpu.memory_space<vmem>>) target_semaphore(%run_scoped3A : memref<!tpu.dma_semaphore, #tpu.memory_space<semaphore_mem>>)
      %dma_wait3A = arith.constant 0 : i32
      %dma_wait3A_21 = arith.constant 0 : i32
      %dma_wait3A_22 = tpu.memref_slice %arg4[%add3A, %dma_wait3A, %dma_wait3A_21] : memref<32x125x80xi32, #tpu.memory_space<hbm>> -> memref<1x125x80xi32, #tpu.memory_space<hbm>>
      %dma_wait3A_23 = tpu.memref_squeeze %dma_wait3A_22 : memref<1x125x80xi32, #tpu.memory_space<hbm>> -> memref<125x80xi32, #tpu.memory_space<hbm>>
      %dma_wait3A_24 = arith.constant 0 : i32
      %dma_wait3A_25 = arith.constant 0 : i32
      %dma_wait3A_26 = tpu.memref_slice %arg4[%add3A, %dma_wait3A_24, %dma_wait3A_25] : memref<32x125x80xi32, #tpu.memory_space<hbm>> -> memref<1x125x80xi32, #tpu.memory_space<hbm>>
      %dma_wait3A_27 = tpu.memref_squeeze %dma_wait3A_26 : memref<1x125x80xi32, #tpu.memory_space<hbm>> -> memref<125x80xi32, #tpu.memory_space<hbm>>
      tpu.wait_dma2 semaphore(%run_scoped3A : memref<!tpu.dma_semaphore, #tpu.memory_space<semaphore_mem>>) src(%dma_wait3A_27 : memref<125x80xi32, #tpu.memory_space<hbm>>) dst(%arg8 : memref<125x80xi32, #tpu.memory_space<vmem>>)
      tpu.yield
    }) : () -> ()
    %mul3A_1 = arith.constant 632 : i32
    %mul3A_2 = arith.muli %arg1, %mul3A_1 : i32
    "tpu.region"() ({
      %run_scoped3A = tpu.sem_alloc : memref<!tpu.dma_semaphore, #tpu.memory_space<semaphore_mem>>
      %dma_start3A = arith.constant 0 : i32
      %dma_start3A_14 = tpu.memref_slice %arg10[%mul3A_2, %dma_start3A] : memref<10112x128xf32, #tpu.memory_space<vmem_shared>> -> memref<632x128xf32, #tpu.memory_space<vmem_shared>>
      tpu.enqueue_dma source(%arg5 : memref<632x128xf32, #tpu.memory_space<hbm>>) target(%dma_start3A_14 : memref<632x128xf32, #tpu.memory_space<vmem_shared>>) target_semaphore(%run_scoped3A : memref<!tpu.dma_semaphore, #tpu.memory_space<semaphore_mem>>)
      %dma_wait3A = arith.constant 0 : i32
      %dma_wait3A_15 = tpu.memref_slice %arg10[%mul3A_2, %dma_wait3A] : memref<10112x128xf32, #tpu.memory_space<vmem_shared>> -> memref<632x128xf32, #tpu.memory_space<vmem_shared>>
      tpu.wait_dma2 semaphore(%run_scoped3A : memref<!tpu.dma_semaphore, #tpu.memory_space<semaphore_mem>>) src(%arg5 : memref<632x128xf32, #tpu.memory_space<hbm>>) dst(%dma_wait3A_15 : memref<632x128xf32, #tpu.memory_space<vmem_shared>>)
      tpu.yield
    }) : () -> ()
    %barrier3A = arith.constant 0 : index
    tpu.barrier barrier_id(%barrier3A)
    %scan3A = arith.constant 0 : i32
    %scan3A_3 = arith.constant 0 : i32
    %scan3A_4 = arith.constant 125 : i32
    %scan3A_5 = arith.addi %scan3A_3, %scan3A_4 : i32
    %scan3A_6 = arith.constant 1 : i32
    %scan3A_7 = scf.for %scan3A_14 = %scan3A_3 to %scan3A_5 step %scan3A_6 iter_args(%scan3A_15 = %scan3A) -> (i32)  : i32 {
      %dma_start3A = arith.constant 0 : i32
      %dma_start3A_16 = tpu.memref_slice %arg7[%scan3A_14, %dma_start3A] : memref<125x80xi32, #tpu.memory_space<vmem>> -> memref<1x80xi32, #tpu.memory_space<vmem>>
      %dma_start3A_17 = tpu.memref_squeeze %dma_start3A_16 : memref<1x80xi32, #tpu.memory_space<vmem>> -> memref<80xi32, #tpu.memory_space<vmem>>
      %dma_start3A_18 = arith.constant 0 : i32
      %dma_start3A_19 = arith.constant 0 : i32
      %dma_start3A_20 = tpu.memref_slice %arg2[%dma_start3A_18, %dma_start3A_19] : memref<10000x128xf32, #tpu.memory_space<hbm>> -> memref<10000x128xf32, #tpu.memory_space<hbm>>
      tpu.enqueue_indirect_dma source(%dma_start3A_20 : memref<10000x128xf32, #tpu.memory_space<hbm>>) target(%arg9 : memref<80x128xf32, #tpu.memory_space<vmem>>) offsets(%dma_start3A_17 : memref<80xi32, #tpu.memory_space<vmem>>) semaphore(%arg11 : memref<!tpu.dma_semaphore, #tpu.memory_space<semaphore_mem>>)
      %dma_wait3A = arith.constant 0 : i32
      %dma_wait3A_21 = tpu.memref_slice %arg7[%scan3A_14, %dma_wait3A] : memref<125x80xi32, #tpu.memory_space<vmem>> -> memref<1x80xi32, #tpu.memory_space<vmem>>
      %dma_wait3A_22 = tpu.memref_squeeze %dma_wait3A_21 : memref<1x80xi32, #tpu.memory_space<vmem>> -> memref<80xi32, #tpu.memory_space<vmem>>
      %dma_wait3A_23 = arith.constant 0 : i32
      %dma_wait3A_24 = arith.constant 0 : i32
      %dma_wait3A_25 = tpu.memref_slice %arg2[%dma_wait3A_23, %dma_wait3A_24] : memref<10000x128xf32, #tpu.memory_space<hbm>> -> memref<10000x128xf32, #tpu.memory_space<hbm>>
      tpu.wait_indirect_dma semaphore(%arg11 : memref<!tpu.dma_semaphore, #tpu.memory_space<semaphore_mem>>) src(%dma_wait3A_25 : memref<10000x128xf32, #tpu.memory_space<hbm>>) dst(%arg9 : memref<80x128xf32, #tpu.memory_space<vmem>>)
      "tpu.region"() ({
        %run_scoped3A = tpu.sem_alloc : memref<!tpu.dma_semaphore, #tpu.memory_space<semaphore_mem>>
        %dma_start3A_27 = arith.constant 0 : i32
        %dma_start3A_28 = tpu.memref_slice %arg8[%scan3A_14, %dma_start3A_27] : memref<125x80xi32, #tpu.memory_space<vmem>> -> memref<1x80xi32, #tpu.memory_space<vmem>>
        %dma_start3A_29 = tpu.memref_squeeze %dma_start3A_28 : memref<1x80xi32, #tpu.memory_space<vmem>> -> memref<80xi32, #tpu.memory_space<vmem>>
        %dma_start3A_30 = arith.constant 0 : i32
        %dma_start3A_31 = arith.constant 0 : i32
        %dma_start3A_32 = tpu.memref_slice %arg10[%dma_start3A_30, %dma_start3A_31] : memref<10112x128xf32, #tpu.memory_space<vmem_shared>> -> memref<10112x128xf32, #tpu.memory_space<vmem_shared>>
        tpu.enqueue_indirect_dma source(%arg9 : memref<80x128xf32, #tpu.memory_space<vmem>>) target(%dma_start3A_32 : memref<10112x128xf32, #tpu.memory_space<vmem_shared>>) offsets(%dma_start3A_29 : memref<80xi32, #tpu.memory_space<vmem>>) semaphore(%run_scoped3A : memref<!tpu.dma_semaphore, #tpu.memory_space<semaphore_mem>>) {add = true}
        %dma_wait3A_33 = arith.constant 0 : i32
        %dma_wait3A_34 = tpu.memref_slice %arg8[%scan3A_14, %dma_wait3A_33] : memref<125x80xi32, #tpu.memory_space<vmem>> -> memref<1x80xi32, #tpu.memory_space<vmem>>
        %dma_wait3A_35 = tpu.memref_squeeze %dma_wait3A_34 : memref<1x80xi32, #tpu.memory_space<vmem>> -> memref<80xi32, #tpu.memory_space<vmem>>
        %dma_wait3A_36 = arith.constant 0 : i32
        %dma_wait3A_37 = arith.constant 0 : i32
        %dma_wait3A_38 = tpu.memref_slice %arg10[%dma_wait3A_36, %dma_wait3A_37] : memref<10112x128xf32, #tpu.memory_space<vmem_shared>> -> memref<10112x128xf32, #tpu.memory_space<vmem_shared>>
        tpu.wait_indirect_dma semaphore(%run_scoped3A : memref<!tpu.dma_semaphore, #tpu.memory_space<semaphore_mem>>) src(%arg9 : memref<80x128xf32, #tpu.memory_space<vmem>>) dst(%dma_wait3A_38 : memref<10112x128xf32, #tpu.memory_space<vmem_shared>>)
        tpu.yield
      }) : () -> ()
      %scan3A_26 = arith.constant 0 : i32
      scf.yield %scan3A_26 : i32
    }
    %scan3A_8 = arith.constant 125 : i32
    %barrier3A_9 = arith.constant 0 : index
    tpu.barrier barrier_id(%barrier3A_9)
    %mul3A_10 = arith.constant 632 : i32
    %mul3A_11 = arith.muli %arg1, %mul3A_10 : i32
    %mul3A_12 = arith.constant 632 : i32
    %mul3A_13 = arith.muli %arg1, %mul3A_12 : i32
    "tpu.region"() ({
      %run_scoped3A = tpu.sem_alloc : memref<!tpu.dma_semaphore, #tpu.memory_space<semaphore_mem>>
      %dma_start3A = arith.constant 0 : i32
      %dma_start3A_14 = tpu.memref_slice %arg6[%arg0, %mul3A_13, %dma_start3A] : memref<2x10112x128xf32, #tpu.memory_space<hbm>> -> memref<1x632x128xf32, #tpu.memory_space<hbm>>
      %dma_start3A_15 = tpu.memref_squeeze %dma_start3A_14 : memref<1x632x128xf32, #tpu.memory_space<hbm>> -> memref<632x128xf32, #tpu.memory_space<hbm>>
      %dma_start3A_16 = arith.constant 0 : i32
      %dma_start3A_17 = tpu.memref_slice %arg10[%mul3A_11, %dma_start3A_16] : memref<10112x128xf32, #tpu.memory_space<vmem_shared>> -> memref<632x128xf32, #tpu.memory_space<vmem_shared>>
      tpu.enqueue_dma source(%dma_start3A_17 : memref<632x128xf32, #tpu.memory_space<vmem_shared>>) target(%dma_start3A_15 : memref<632x128xf32, #tpu.memory_space<hbm>>) target_semaphore(%run_scoped3A : memref<!tpu.dma_semaphore, #tpu.memory_space<semaphore_mem>>)
      %dma_wait3A = arith.constant 0 : i32
      %dma_wait3A_18 = tpu.memref_slice %arg6[%arg0, %mul3A_13, %dma_wait3A] : memref<2x10112x128xf32, #tpu.memory_space<hbm>> -> memref<1x632x128xf32, #tpu.memory_space<hbm>>
      %dma_wait3A_19 = tpu.memref_squeeze %dma_wait3A_18 : memref<1x632x128xf32, #tpu.memory_space<hbm>> -> memref<632x128xf32, #tpu.memory_space<hbm>>
      %dma_wait3A_20 = arith.constant 0 : i32
      %dma_wait3A_21 = tpu.memref_slice %arg10[%mul3A_11, %dma_wait3A_20] : memref<10112x128xf32, #tpu.memory_space<vmem_shared>> -> memref<632x128xf32, #tpu.memory_space<vmem_shared>>
      tpu.wait_dma2 semaphore(%run_scoped3A : memref<!tpu.dma_semaphore, #tpu.memory_space<semaphore_mem>>) src(%dma_wait3A_21 : memref<632x128xf32, #tpu.memory_space<vmem_shared>>) dst(%dma_wait3A_19 : memref<632x128xf32, #tpu.memory_space<hbm>>)
      tpu.yield
    }) : () -> ()
    return
  }
}

#map = affine_map<(d0, d1) -> (0, 0)>
#map1 = affine_map<(d0, d1) -> (0, 0, 0)>
module attributes {stable_mosaic.version = 14 : i64} {
  func.func @segsum(%arg0: i32, %arg1: i32, %arg2: memref<10000x64xf32, #tpu.memory_space<hbm>>, %arg3: memref<32x125x80xi32, #tpu.memory_space<hbm>>, %arg4: memref<32x125x80xi32, #tpu.memory_space<hbm>>, %arg5: memref<632x64xf32, #tpu.memory_space<hbm>>, %arg6: memref<2x10112x64xf32, #tpu.memory_space<hbm>>, %arg7: memref<125x80xi32, #tpu.memory_space<vmem>>, %arg8: memref<125x80xi32, #tpu.memory_space<vmem>>, %arg9: memref<80x64xf32, #tpu.memory_space<vmem>>, %arg10: memref<10112x64xf32, #tpu.memory_space<vmem_shared>>, %arg11: memref<!tpu.dma_semaphore, #tpu.memory_space<semaphore_mem>>) attributes {dimension_semantics = [#tpu.dimension_semantics<core_parallel>, #tpu.dimension_semantics<subcore_parallel>], iteration_bounds = array<i64: 2, 16>, scalar_prefetch = 0 : i64, scratch_operands = 5 : i64, tpu.core_type = #tpu.core_type<sc_vector_subcore>, window_params = [{transform_indices = #map}, {transform_indices = #map1}, {transform_indices = #map1}, {transform_indices = #map}, {transform_indices = #map1}]} {
    %mul3A = arith.constant 16 : i32
    %mul3A_0 = arith.muli %arg0, %mul3A : i32
    %add3A = arith.addi %mul3A_0, %arg1 : i32
    "tpu.region"() ({
      %run_scoped3A = tpu.sem_alloc : memref<!tpu.dma_semaphore, #tpu.memory_space<semaphore_mem>>
      %dma_start3A = arith.constant 0 : i32
      %dma_start3A_14 = arith.constant 0 : i32
      %dma_start3A_15 = tpu.memref_slice %arg3[%add3A, %dma_start3A, %dma_start3A_14] : memref<32x125x80xi32, #tpu.memory_space<hbm>> -> memref<1x125x80xi32, #tpu.memory_space<hbm>>
      %dma_start3A_16 = tpu.memref_squeeze %dma_start3A_15 : memref<1x125x80xi32, #tpu.memory_space<hbm>> -> memref<125x80xi32, #tpu.memory_space<hbm>>
      %dma_start3A_17 = arith.constant 0 : i32
      %dma_start3A_18 = arith.constant 0 : i32
      %dma_start3A_19 = tpu.memref_slice %arg3[%add3A, %dma_start3A_17, %dma_start3A_18] : memref<32x125x80xi32, #tpu.memory_space<hbm>> -> memref<1x125x80xi32, #tpu.memory_space<hbm>>
      %dma_start3A_20 = tpu.memref_squeeze %dma_start3A_19 : memref<1x125x80xi32, #tpu.memory_space<hbm>> -> memref<125x80xi32, #tpu.memory_space<hbm>>
      tpu.enqueue_dma source(%dma_start3A_20 : memref<125x80xi32, #tpu.memory_space<hbm>>) target(%arg7 : memref<125x80xi32, #tpu.memory_space<vmem>>) target_semaphore(%run_scoped3A : memref<!tpu.dma_semaphore, #tpu.memory_space<semaphore_mem>>)
      %dma_wait3A = arith.constant 0 : i32
      %dma_wait3A_21 = arith.constant 0 : i32
      %dma_wait3A_22 = tpu.memref_slice %arg3[%add3A, %dma_wait3A, %dma_wait3A_21] : memref<32x125x80xi32, #tpu.memory_space<hbm>> -> memref<1x125x80xi32, #tpu.memory_space<hbm>>
      %dma_wait3A_23 = tpu.memref_squeeze %dma_wait3A_22 : memref<1x125x80xi32, #tpu.memory_space<hbm>> -> memref<125x80xi32, #tpu.memory_space<hbm>>
      %dma_wait3A_24 = arith.constant 0 : i32
      %dma_wait3A_25 = arith.constant 0 : i32
      %dma_wait3A_26 = tpu.memref_slice %arg3[%add3A, %dma_wait3A_24, %dma_wait3A_25] : memref<32x125x80xi32, #tpu.memory_space<hbm>> -> memref<1x125x80xi32, #tpu.memory_space<hbm>>
      %dma_wait3A_27 = tpu.memref_squeeze %dma_wait3A_26 : memref<1x125x80xi32, #tpu.memory_space<hbm>> -> memref<125x80xi32, #tpu.memory_space<hbm>>
      tpu.wait_dma2 semaphore(%run_scoped3A : memref<!tpu.dma_semaphore, #tpu.memory_space<semaphore_mem>>) src(%dma_wait3A_27 : memref<125x80xi32, #tpu.memory_space<hbm>>) dst(%arg7 : memref<125x80xi32, #tpu.memory_space<vmem>>)
      tpu.yield
    }) : () -> ()
    "tpu.region"() ({
      %run_scoped3A = tpu.sem_alloc : memref<!tpu.dma_semaphore, #tpu.memory_space<semaphore_mem>>
      %dma_start3A = arith.constant 0 : i32
      %dma_start3A_14 = arith.constant 0 : i32
      %dma_start3A_15 = tpu.memref_slice %arg4[%add3A, %dma_start3A, %dma_start3A_14] : memref<32x125x80xi32, #tpu.memory_space<hbm>> -> memref<1x125x80xi32, #tpu.memory_space<hbm>>
      %dma_start3A_16 = tpu.memref_squeeze %dma_start3A_15 : memref<1x125x80xi32, #tpu.memory_space<hbm>> -> memref<125x80xi32, #tpu.memory_space<hbm>>
      %dma_start3A_17 = arith.constant 0 : i32
      %dma_start3A_18 = arith.constant 0 : i32
      %dma_start3A_19 = tpu.memref_slice %arg4[%add3A, %dma_start3A_17, %dma_start3A_18] : memref<32x125x80xi32, #tpu.memory_space<hbm>> -> memref<1x125x80xi32, #tpu.memory_space<hbm>>
      %dma_start3A_20 = tpu.memref_squeeze %dma_start3A_19 : memref<1x125x80xi32, #tpu.memory_space<hbm>> -> memref<125x80xi32, #tpu.memory_space<hbm>>
      tpu.enqueue_dma source(%dma_start3A_20 : memref<125x80xi32, #tpu.memory_space<hbm>>) target(%arg8 : memref<125x80xi32, #tpu.memory_space<vmem>>) target_semaphore(%run_scoped3A : memref<!tpu.dma_semaphore, #tpu.memory_space<semaphore_mem>>)
      %dma_wait3A = arith.constant 0 : i32
      %dma_wait3A_21 = arith.constant 0 : i32
      %dma_wait3A_22 = tpu.memref_slice %arg4[%add3A, %dma_wait3A, %dma_wait3A_21] : memref<32x125x80xi32, #tpu.memory_space<hbm>> -> memref<1x125x80xi32, #tpu.memory_space<hbm>>
      %dma_wait3A_23 = tpu.memref_squeeze %dma_wait3A_22 : memref<1x125x80xi32, #tpu.memory_space<hbm>> -> memref<125x80xi32, #tpu.memory_space<hbm>>
      %dma_wait3A_24 = arith.constant 0 : i32
      %dma_wait3A_25 = arith.constant 0 : i32
      %dma_wait3A_26 = tpu.memref_slice %arg4[%add3A, %dma_wait3A_24, %dma_wait3A_25] : memref<32x125x80xi32, #tpu.memory_space<hbm>> -> memref<1x125x80xi32, #tpu.memory_space<hbm>>
      %dma_wait3A_27 = tpu.memref_squeeze %dma_wait3A_26 : memref<1x125x80xi32, #tpu.memory_space<hbm>> -> memref<125x80xi32, #tpu.memory_space<hbm>>
      tpu.wait_dma2 semaphore(%run_scoped3A : memref<!tpu.dma_semaphore, #tpu.memory_space<semaphore_mem>>) src(%dma_wait3A_27 : memref<125x80xi32, #tpu.memory_space<hbm>>) dst(%arg8 : memref<125x80xi32, #tpu.memory_space<vmem>>)
      tpu.yield
    }) : () -> ()
    %mul3A_1 = arith.constant 632 : i32
    %mul3A_2 = arith.muli %arg1, %mul3A_1 : i32
    "tpu.region"() ({
      %run_scoped3A = tpu.sem_alloc : memref<!tpu.dma_semaphore, #tpu.memory_space<semaphore_mem>>
      %dma_start3A = arith.constant 0 : i32
      %dma_start3A_14 = tpu.memref_slice %arg10[%mul3A_2, %dma_start3A] : memref<10112x64xf32, #tpu.memory_space<vmem_shared>> -> memref<632x64xf32, #tpu.memory_space<vmem_shared>>
      tpu.enqueue_dma source(%arg5 : memref<632x64xf32, #tpu.memory_space<hbm>>) target(%dma_start3A_14 : memref<632x64xf32, #tpu.memory_space<vmem_shared>>) target_semaphore(%run_scoped3A : memref<!tpu.dma_semaphore, #tpu.memory_space<semaphore_mem>>)
      %dma_wait3A = arith.constant 0 : i32
      %dma_wait3A_15 = tpu.memref_slice %arg10[%mul3A_2, %dma_wait3A] : memref<10112x64xf32, #tpu.memory_space<vmem_shared>> -> memref<632x64xf32, #tpu.memory_space<vmem_shared>>
      tpu.wait_dma2 semaphore(%run_scoped3A : memref<!tpu.dma_semaphore, #tpu.memory_space<semaphore_mem>>) src(%arg5 : memref<632x64xf32, #tpu.memory_space<hbm>>) dst(%dma_wait3A_15 : memref<632x64xf32, #tpu.memory_space<vmem_shared>>)
      tpu.yield
    }) : () -> ()
    %barrier3A = arith.constant 0 : index
    tpu.barrier barrier_id(%barrier3A)
    %scan3A = arith.constant 0 : i32
    %scan3A_3 = arith.constant 0 : i32
    %scan3A_4 = arith.constant 125 : i32
    %scan3A_5 = arith.addi %scan3A_3, %scan3A_4 : i32
    %scan3A_6 = arith.constant 1 : i32
    %scan3A_7 = scf.for %scan3A_14 = %scan3A_3 to %scan3A_5 step %scan3A_6 iter_args(%scan3A_15 = %scan3A) -> (i32)  : i32 {
      %dma_start3A = arith.constant 0 : i32
      %dma_start3A_16 = tpu.memref_slice %arg7[%scan3A_14, %dma_start3A] : memref<125x80xi32, #tpu.memory_space<vmem>> -> memref<1x80xi32, #tpu.memory_space<vmem>>
      %dma_start3A_17 = tpu.memref_squeeze %dma_start3A_16 : memref<1x80xi32, #tpu.memory_space<vmem>> -> memref<80xi32, #tpu.memory_space<vmem>>
      %dma_start3A_18 = arith.constant 0 : i32
      %dma_start3A_19 = arith.constant 0 : i32
      %dma_start3A_20 = tpu.memref_slice %arg2[%dma_start3A_18, %dma_start3A_19] : memref<10000x64xf32, #tpu.memory_space<hbm>> -> memref<10000x64xf32, #tpu.memory_space<hbm>>
      tpu.enqueue_indirect_dma source(%dma_start3A_20 : memref<10000x64xf32, #tpu.memory_space<hbm>>) target(%arg9 : memref<80x64xf32, #tpu.memory_space<vmem>>) offsets(%dma_start3A_17 : memref<80xi32, #tpu.memory_space<vmem>>) semaphore(%arg11 : memref<!tpu.dma_semaphore, #tpu.memory_space<semaphore_mem>>)
      %dma_wait3A = arith.constant 0 : i32
      %dma_wait3A_21 = tpu.memref_slice %arg7[%scan3A_14, %dma_wait3A] : memref<125x80xi32, #tpu.memory_space<vmem>> -> memref<1x80xi32, #tpu.memory_space<vmem>>
      %dma_wait3A_22 = tpu.memref_squeeze %dma_wait3A_21 : memref<1x80xi32, #tpu.memory_space<vmem>> -> memref<80xi32, #tpu.memory_space<vmem>>
      %dma_wait3A_23 = arith.constant 0 : i32
      %dma_wait3A_24 = arith.constant 0 : i32
      %dma_wait3A_25 = tpu.memref_slice %arg2[%dma_wait3A_23, %dma_wait3A_24] : memref<10000x64xf32, #tpu.memory_space<hbm>> -> memref<10000x64xf32, #tpu.memory_space<hbm>>
      tpu.wait_indirect_dma semaphore(%arg11 : memref<!tpu.dma_semaphore, #tpu.memory_space<semaphore_mem>>) src(%dma_wait3A_25 : memref<10000x64xf32, #tpu.memory_space<hbm>>) dst(%arg9 : memref<80x64xf32, #tpu.memory_space<vmem>>)
      "tpu.region"() ({
        %run_scoped3A = tpu.sem_alloc : memref<!tpu.dma_semaphore, #tpu.memory_space<semaphore_mem>>
        %dma_start3A_27 = arith.constant 0 : i32
        %dma_start3A_28 = tpu.memref_slice %arg8[%scan3A_14, %dma_start3A_27] : memref<125x80xi32, #tpu.memory_space<vmem>> -> memref<1x80xi32, #tpu.memory_space<vmem>>
        %dma_start3A_29 = tpu.memref_squeeze %dma_start3A_28 : memref<1x80xi32, #tpu.memory_space<vmem>> -> memref<80xi32, #tpu.memory_space<vmem>>
        %dma_start3A_30 = arith.constant 0 : i32
        %dma_start3A_31 = arith.constant 0 : i32
        %dma_start3A_32 = tpu.memref_slice %arg10[%dma_start3A_30, %dma_start3A_31] : memref<10112x64xf32, #tpu.memory_space<vmem_shared>> -> memref<10112x64xf32, #tpu.memory_space<vmem_shared>>
        tpu.enqueue_indirect_dma source(%arg9 : memref<80x64xf32, #tpu.memory_space<vmem>>) target(%dma_start3A_32 : memref<10112x64xf32, #tpu.memory_space<vmem_shared>>) offsets(%dma_start3A_29 : memref<80xi32, #tpu.memory_space<vmem>>) semaphore(%run_scoped3A : memref<!tpu.dma_semaphore, #tpu.memory_space<semaphore_mem>>) {add = true}
        %dma_wait3A_33 = arith.constant 0 : i32
        %dma_wait3A_34 = tpu.memref_slice %arg8[%scan3A_14, %dma_wait3A_33] : memref<125x80xi32, #tpu.memory_space<vmem>> -> memref<1x80xi32, #tpu.memory_space<vmem>>
        %dma_wait3A_35 = tpu.memref_squeeze %dma_wait3A_34 : memref<1x80xi32, #tpu.memory_space<vmem>> -> memref<80xi32, #tpu.memory_space<vmem>>
        %dma_wait3A_36 = arith.constant 0 : i32
        %dma_wait3A_37 = arith.constant 0 : i32
        %dma_wait3A_38 = tpu.memref_slice %arg10[%dma_wait3A_36, %dma_wait3A_37] : memref<10112x64xf32, #tpu.memory_space<vmem_shared>> -> memref<10112x64xf32, #tpu.memory_space<vmem_shared>>
        tpu.wait_indirect_dma semaphore(%run_scoped3A : memref<!tpu.dma_semaphore, #tpu.memory_space<semaphore_mem>>) src(%arg9 : memref<80x64xf32, #tpu.memory_space<vmem>>) dst(%dma_wait3A_38 : memref<10112x64xf32, #tpu.memory_space<vmem_shared>>)
        tpu.yield
      }) : () -> ()
      %scan3A_26 = arith.constant 0 : i32
      scf.yield %scan3A_26 : i32
    }
    %scan3A_8 = arith.constant 125 : i32
    %barrier3A_9 = arith.constant 0 : index
    tpu.barrier barrier_id(%barrier3A_9)
    %mul3A_10 = arith.constant 632 : i32
    %mul3A_11 = arith.muli %arg1, %mul3A_10 : i32
    %mul3A_12 = arith.constant 632 : i32
    %mul3A_13 = arith.muli %arg1, %mul3A_12 : i32
    "tpu.region"() ({
      %run_scoped3A = tpu.sem_alloc : memref<!tpu.dma_semaphore, #tpu.memory_space<semaphore_mem>>
      %dma_start3A = arith.constant 0 : i32
      %dma_start3A_14 = tpu.memref_slice %arg6[%arg0, %mul3A_13, %dma_start3A] : memref<2x10112x64xf32, #tpu.memory_space<hbm>> -> memref<1x632x64xf32, #tpu.memory_space<hbm>>
      %dma_start3A_15 = tpu.memref_squeeze %dma_start3A_14 : memref<1x632x64xf32, #tpu.memory_space<hbm>> -> memref<632x64xf32, #tpu.memory_space<hbm>>
      %dma_start3A_16 = arith.constant 0 : i32
      %dma_start3A_17 = tpu.memref_slice %arg10[%mul3A_11, %dma_start3A_16] : memref<10112x64xf32, #tpu.memory_space<vmem_shared>> -> memref<632x64xf32, #tpu.memory_space<vmem_shared>>
      tpu.enqueue_dma source(%dma_start3A_17 : memref<632x64xf32, #tpu.memory_space<vmem_shared>>) target(%dma_start3A_15 : memref<632x64xf32, #tpu.memory_space<hbm>>) target_semaphore(%run_scoped3A : memref<!tpu.dma_semaphore, #tpu.memory_space<semaphore_mem>>)
      %dma_wait3A = arith.constant 0 : i32
      %dma_wait3A_18 = tpu.memref_slice %arg6[%arg0, %mul3A_13, %dma_wait3A] : memref<2x10112x64xf32, #tpu.memory_space<hbm>> -> memref<1x632x64xf32, #tpu.memory_space<hbm>>
      %dma_wait3A_19 = tpu.memref_squeeze %dma_wait3A_18 : memref<1x632x64xf32, #tpu.memory_space<hbm>> -> memref<632x64xf32, #tpu.memory_space<hbm>>
      %dma_wait3A_20 = arith.constant 0 : i32
      %dma_wait3A_21 = tpu.memref_slice %arg10[%mul3A_11, %dma_wait3A_20] : memref<10112x64xf32, #tpu.memory_space<vmem_shared>> -> memref<632x64xf32, #tpu.memory_space<vmem_shared>>
      tpu.wait_dma2 semaphore(%run_scoped3A : memref<!tpu.dma_semaphore, #tpu.memory_space<semaphore_mem>>) src(%dma_wait3A_21 : memref<632x64xf32, #tpu.memory_space<vmem_shared>>) dst(%dma_wait3A_19 : memref<632x64xf32, #tpu.memory_space<hbm>>)
      tpu.yield
    }) : () -> ()
    return
  }
}

module attributes {stable_mosaic.version = 14 : i64} {
  func.func @_mm_body(%arg0: i32, %arg1: memref<1000x128xf32, #tpu.memory_space<vmem>>, %arg2: memref<128x128xf32, #tpu.memory_space<vmem>>, %arg3: memref<1000x128xf32, #tpu.memory_space<vmem>>) attributes {dimension_semantics = [#tpu.dimension_semantics<arbitrary>], iteration_bounds = array<i64: 10>, scalar_prefetch = 0 : i64, scratch_operands = 0 : i64, tpu.core_type = #tpu.core_type<tc>, window_params = [{transform_indices = @transform_0, window_bounds = array<i64: 1000, 128>}, {pipeline_mode = #tpu.pipeline_mode<synchronous>, transform_indices = @transform_1, window_bounds = array<i64: 128, 128>}, {transform_indices = @transform_2, window_bounds = array<i64: 1000, 128>}]} {
    %get3A = arith.constant 0 : index
    %get3A_0 = arith.constant 0 : index
    %get3A_1 = vector.load %arg1[%get3A, %get3A_0] : memref<1000x128xf32, #tpu.memory_space<vmem>>, vector<1000x128xf32>
    %get3A_2 = arith.constant 0 : index
    %get3A_3 = arith.constant 0 : index
    %get3A_4 = vector.load %arg2[%get3A_2, %get3A_3] : memref<128x128xf32, #tpu.memory_space<vmem>>, vector<128x128xf32>
    %dot_general3A = arith.constant dense<0.000000e+00> : vector<1000x128xf32>
    %dot_general3A_5 = tpu.matmul %get3A_1, %get3A_4, %dot_general3A {dimension_numbers = #tpu.dot_dimension_numbers<[1], [0], [0], [1], [0, 0, 1, 1], [], []>, precision = #tpu.contract_precision<fp32>, transpose_lhs_hint = false} : vector<1000x128xf32>, vector<128x128xf32>, vector<1000x128xf32> -> vector<1000x128xf32>
    %swap3A = arith.constant 0 : index
    %swap3A_6 = arith.constant 0 : index
    %swap3A_7 = vector.load %arg3[%swap3A, %swap3A_6] : memref<1000x128xf32, #tpu.memory_space<vmem>>, vector<1000x128xf32>
    tpu.vector_store %arg3[%swap3A, %swap3A_6], %dot_general3A_5 {strides = array<i32>} : memref<1000x128xf32, #tpu.memory_space<vmem>>, vector<1000x128xf32>,
    return
  }
  func.func @transform_0(%arg0: i32) -> (i32, i32) {
    %c0_i32 = arith.constant 0 : i32
    %c0_i32_0 = arith.constant 0 : i32
    return %arg0, %c0_i32 : i32, i32
  }
  func.func @transform_1(%arg0: i32) -> (i32, i32) {
    %c0_i32 = arith.constant 0 : i32
    %c0_i32_0 = arith.constant 0 : i32
    %c0_i32_1 = arith.constant 0 : i32
    return %c0_i32, %c0_i32_0 : i32, i32
  }
  func.func @transform_2(%arg0: i32) -> (i32, i32) {
    %c0_i32 = arith.constant 0 : i32
    %c0_i32_0 = arith.constant 0 : i32
    return %arg0, %c0_i32 : i32, i32
  }
}

module attributes {stable_mosaic.version = 14 : i64} {
  func.func @_mid_body(%arg0: i32, %arg1: memref<1000x128xf32, #tpu.memory_space<vmem>>, %arg2: memref<1000x128xf32, #tpu.memory_space<vmem>>, %arg3: memref<1000x128xf32, #tpu.memory_space<vmem>>, %arg4: memref<1x128xf32, #tpu.memory_space<vmem>>, %arg5: memref<128x128xf32, #tpu.memory_space<vmem>>, %arg6: memref<1x128xf32, #tpu.memory_space<vmem>>, %arg7: memref<128x128xf32, #tpu.memory_space<vmem>>, %arg8: memref<1000x128xf32, #tpu.memory_space<vmem>>) attributes {dimension_semantics = [#tpu.dimension_semantics<arbitrary>], iteration_bounds = array<i64: 10>, scalar_prefetch = 0 : i64, scratch_operands = 0 : i64, tpu.core_type = #tpu.core_type<tc>, window_params = [{transform_indices = @transform_0, window_bounds = array<i64: 1000, 128>}, {transform_indices = @transform_1, window_bounds = array<i64: 1000, 128>}, {transform_indices = @transform_2, window_bounds = array<i64: 1000, 128>}, {pipeline_mode = #tpu.pipeline_mode<synchronous>, transform_indices = @transform_3, window_bounds = array<i64: 1, 128>}, {pipeline_mode = #tpu.pipeline_mode<synchronous>, transform_indices = @transform_4, window_bounds = array<i64: 128, 128>}, {pipeline_mode = #tpu.pipeline_mode<synchronous>, transform_indices = @transform_5, window_bounds = array<i64: 1, 128>}, {pipeline_mode = #tpu.pipeline_mode<synchronous>, transform_indices = @transform_6, window_bounds = array<i64: 128, 128>}, {transform_indices = @transform_7, window_bounds = array<i64: 1000, 128>}]} {
    %get3A = arith.constant 0 : index
    %get3A_0 = arith.constant 0 : index
    %get3A_1 = vector.load %arg1[%get3A, %get3A_0] : memref<1000x128xf32, #tpu.memory_space<vmem>>, vector<1000x128xf32>
    %get3A_2 = arith.constant 0 : index
    %get3A_3 = arith.constant 0 : index
    %get3A_4 = vector.load %arg2[%get3A_2, %get3A_3] : memref<1000x128xf32, #tpu.memory_space<vmem>>, vector<1000x128xf32>
    %add3A = arith.addf %get3A_1, %get3A_4 : vector<1000x128xf32>
    %get3A_5 = arith.constant 0 : index
    %get3A_6 = arith.constant 0 : index
    %get3A_7 = vector.load %arg3[%get3A_5, %get3A_6] : memref<1000x128xf32, #tpu.memory_space<vmem>>, vector<1000x128xf32>
    %add3A_8 = arith.addf %add3A, %get3A_7 : vector<1000x128xf32>
    %get3A_9 = arith.constant 0 : index
    %get3A_10 = arith.constant 0 : index
    %get3A_11 = vector.load %arg4[%get3A_9, %get3A_10] : memref<1x128xf32, #tpu.memory_space<vmem>>, vector<1x128xf32>
    %add3A_12 = vector.broadcast %get3A_11 : vector<1x128xf32> to vector<1000x128xf32>
    %add3A_13 = arith.addf %add3A_8, %add3A_12 : vector<1000x128xf32>
    %max3A = arith.constant 0.000000e+00 : f32
    %max3A_14 = vector.broadcast %max3A : f32 to vector<1000x128xf32>
    %max3A_15 = arith.maximumf %add3A_13, %max3A_14 : vector<1000x128xf32>
    %get3A_16 = arith.constant 0 : index
    %get3A_17 = arith.constant 0 : index
    %get3A_18 = vector.load %arg5[%get3A_16, %get3A_17] : memref<128x128xf32, #tpu.memory_space<vmem>>, vector<128x128xf32>
    %dot_general3A = arith.constant dense<0.000000e+00> : vector<1000x128xf32>
    %dot_general3A_19 = tpu.matmul %max3A_15, %get3A_18, %dot_general3A {dimension_numbers = #tpu.dot_dimension_numbers<[1], [0], [0], [1], [0, 0, 1, 1], [], []>, precision = #tpu.contract_precision<fp32>, transpose_lhs_hint = false} : vector<1000x128xf32>, vector<128x128xf32>, vector<1000x128xf32> -> vector<1000x128xf32>
    %get3A_20 = arith.constant 0 : index
    %get3A_21 = arith.constant 0 : index
    %get3A_22 = vector.load %arg6[%get3A_20, %get3A_21] : memref<1x128xf32, #tpu.memory_space<vmem>>, vector<1x128xf32>
    %add3A_23 = vector.broadcast %get3A_22 : vector<1x128xf32> to vector<1000x128xf32>
    %add3A_24 = arith.addf %dot_general3A_19, %add3A_23 : vector<1000x128xf32>
    %max3A_25 = arith.constant 0.000000e+00 : f32
    %max3A_26 = vector.broadcast %max3A_25 : f32 to vector<1000x128xf32>
    %max3A_27 = arith.maximumf %add3A_24, %max3A_26 : vector<1000x128xf32>
    %get3A_28 = arith.constant 0 : index
    %get3A_29 = arith.constant 0 : index
    %get3A_30 = vector.load %arg7[%get3A_28, %get3A_29] : memref<128x128xf32, #tpu.memory_space<vmem>>, vector<128x128xf32>
    %dot_general3A_31 = arith.constant dense<0.000000e+00> : vector<1000x128xf32>
    %dot_general3A_32 = tpu.matmul %max3A_27, %get3A_30, %dot_general3A_31 {dimension_numbers = #tpu.dot_dimension_numbers<[1], [0], [0], [1], [0, 0, 1, 1], [], []>, precision = #tpu.contract_precision<fp32>, transpose_lhs_hint = false} : vector<1000x128xf32>, vector<128x128xf32>, vector<1000x128xf32> -> vector<1000x128xf32>
    %swap3A = arith.constant 0 : index
    %swap3A_33 = arith.constant 0 : index
    %swap3A_34 = vector.load %arg8[%swap3A, %swap3A_33] : memref<1000x128xf32, #tpu.memory_space<vmem>>, vector<1000x128xf32>
    tpu.vector_store %arg8[%swap3A, %swap3A_33], %dot_general3A_32 {strides = array<i32>} : memref<1000x128xf32, #tpu.memory_space<vmem>>, vector<1000x128xf32>,
    return
  }
  func.func @transform_0(%arg0: i32) -> (i32, i32) {
    %c0_i32 = arith.constant 0 : i32
    %c0_i32_0 = arith.constant 0 : i32
    return %arg0, %c0_i32 : i32, i32
  }
  func.func @transform_1(%arg0: i32) -> (i32, i32) {
    %c0_i32 = arith.constant 0 : i32
    %c0_i32_0 = arith.constant 0 : i32
    return %arg0, %c0_i32 : i32, i32
  }
  func.func @transform_2(%arg0: i32) -> (i32, i32) {
    %c0_i32 = arith.constant 0 : i32
    %c0_i32_0 = arith.constant 0 : i32
    return %arg0, %c0_i32 : i32, i32
  }
  func.func @transform_3(%arg0: i32) -> (i32, i32) {
    %c0_i32 = arith.constant 0 : i32
    %c0_i32_0 = arith.constant 0 : i32
    %c0_i32_1 = arith.constant 0 : i32
    return %c0_i32, %c0_i32_0 : i32, i32
  }
  func.func @transform_4(%arg0: i32) -> (i32, i32) {
    %c0_i32 = arith.constant 0 : i32
    %c0_i32_0 = arith.constant 0 : i32
    %c0_i32_1 = arith.constant 0 : i32
    return %c0_i32, %c0_i32_0 : i32, i32
  }
  func.func @transform_5(%arg0: i32) -> (i32, i32) {
    %c0_i32 = arith.constant 0 : i32
    %c0_i32_0 = arith.constant 0 : i32
    %c0_i32_1 = arith.constant 0 : i32
    return %c0_i32, %c0_i32_0 : i32, i32
  }
  func.func @transform_6(%arg0: i32) -> (i32, i32) {
    %c0_i32 = arith.constant 0 : i32
    %c0_i32_0 = arith.constant 0 : i32
    %c0_i32_1 = arith.constant 0 : i32
    return %c0_i32, %c0_i32_0 : i32, i32
  }
  func.func @transform_7(%arg0: i32) -> (i32, i32) {
    %c0_i32 = arith.constant 0 : i32
    %c0_i32_0 = arith.constant 0 : i32
    return %arg0, %c0_i32 : i32, i32
  }
}

module attributes {stable_mosaic.version = 14 : i64} {
  func.func @_mid_body(%arg0: i32, %arg1: memref<1000x128xf32, #tpu.memory_space<vmem>>, %arg2: memref<1000x128xf32, #tpu.memory_space<vmem>>, %arg3: memref<1000x128xf32, #tpu.memory_space<vmem>>, %arg4: memref<1x128xf32, #tpu.memory_space<vmem>>, %arg5: memref<128x128xf32, #tpu.memory_space<vmem>>, %arg6: memref<1x128xf32, #tpu.memory_space<vmem>>, %arg7: memref<128x64xf32, #tpu.memory_space<vmem>>, %arg8: memref<1000x64xf32, #tpu.memory_space<vmem>>) attributes {dimension_semantics = [#tpu.dimension_semantics<arbitrary>], iteration_bounds = array<i64: 10>, scalar_prefetch = 0 : i64, scratch_operands = 0 : i64, tpu.core_type = #tpu.core_type<tc>, window_params = [{transform_indices = @transform_0, window_bounds = array<i64: 1000, 128>}, {transform_indices = @transform_1, window_bounds = array<i64: 1000, 128>}, {transform_indices = @transform_2, window_bounds = array<i64: 1000, 128>}, {pipeline_mode = #tpu.pipeline_mode<synchronous>, transform_indices = @transform_3, window_bounds = array<i64: 1, 128>}, {pipeline_mode = #tpu.pipeline_mode<synchronous>, transform_indices = @transform_4, window_bounds = array<i64: 128, 128>}, {pipeline_mode = #tpu.pipeline_mode<synchronous>, transform_indices = @transform_5, window_bounds = array<i64: 1, 128>}, {pipeline_mode = #tpu.pipeline_mode<synchronous>, transform_indices = @transform_6, window_bounds = array<i64: 128, 64>}, {transform_indices = @transform_7, window_bounds = array<i64: 1000, 64>}]} {
    %get3A = arith.constant 0 : index
    %get3A_0 = arith.constant 0 : index
    %get3A_1 = vector.load %arg1[%get3A, %get3A_0] : memref<1000x128xf32, #tpu.memory_space<vmem>>, vector<1000x128xf32>
    %get3A_2 = arith.constant 0 : index
    %get3A_3 = arith.constant 0 : index
    %get3A_4 = vector.load %arg2[%get3A_2, %get3A_3] : memref<1000x128xf32, #tpu.memory_space<vmem>>, vector<1000x128xf32>
    %add3A = arith.addf %get3A_1, %get3A_4 : vector<1000x128xf32>
    %get3A_5 = arith.constant 0 : index
    %get3A_6 = arith.constant 0 : index
    %get3A_7 = vector.load %arg3[%get3A_5, %get3A_6] : memref<1000x128xf32, #tpu.memory_space<vmem>>, vector<1000x128xf32>
    %add3A_8 = arith.addf %add3A, %get3A_7 : vector<1000x128xf32>
    %get3A_9 = arith.constant 0 : index
    %get3A_10 = arith.constant 0 : index
    %get3A_11 = vector.load %arg4[%get3A_9, %get3A_10] : memref<1x128xf32, #tpu.memory_space<vmem>>, vector<1x128xf32>
    %add3A_12 = vector.broadcast %get3A_11 : vector<1x128xf32> to vector<1000x128xf32>
    %add3A_13 = arith.addf %add3A_8, %add3A_12 : vector<1000x128xf32>
    %max3A = arith.constant 0.000000e+00 : f32
    %max3A_14 = vector.broadcast %max3A : f32 to vector<1000x128xf32>
    %max3A_15 = arith.maximumf %add3A_13, %max3A_14 : vector<1000x128xf32>
    %get3A_16 = arith.constant 0 : index
    %get3A_17 = arith.constant 0 : index
    %get3A_18 = vector.load %arg5[%get3A_16, %get3A_17] : memref<128x128xf32, #tpu.memory_space<vmem>>, vector<128x128xf32>
    %dot_general3A = arith.constant dense<0.000000e+00> : vector<1000x128xf32>
    %dot_general3A_19 = tpu.matmul %max3A_15, %get3A_18, %dot_general3A {dimension_numbers = #tpu.dot_dimension_numbers<[1], [0], [0], [1], [0, 0, 1, 1], [], []>, precision = #tpu.contract_precision<fp32>, transpose_lhs_hint = false} : vector<1000x128xf32>, vector<128x128xf32>, vector<1000x128xf32> -> vector<1000x128xf32>
    %get3A_20 = arith.constant 0 : index
    %get3A_21 = arith.constant 0 : index
    %get3A_22 = vector.load %arg6[%get3A_20, %get3A_21] : memref<1x128xf32, #tpu.memory_space<vmem>>, vector<1x128xf32>
    %add3A_23 = vector.broadcast %get3A_22 : vector<1x128xf32> to vector<1000x128xf32>
    %add3A_24 = arith.addf %dot_general3A_19, %add3A_23 : vector<1000x128xf32>
    %max3A_25 = arith.constant 0.000000e+00 : f32
    %max3A_26 = vector.broadcast %max3A_25 : f32 to vector<1000x128xf32>
    %max3A_27 = arith.maximumf %add3A_24, %max3A_26 : vector<1000x128xf32>
    %get3A_28 = arith.constant 0 : index
    %get3A_29 = arith.constant 0 : index
    %get3A_30 = vector.load %arg7[%get3A_28, %get3A_29] : memref<128x64xf32, #tpu.memory_space<vmem>>, vector<128x64xf32>
    %dot_general3A_31 = arith.constant dense<0.000000e+00> : vector<1000x64xf32>
    %dot_general3A_32 = tpu.matmul %max3A_27, %get3A_30, %dot_general3A_31 {dimension_numbers = #tpu.dot_dimension_numbers<[1], [0], [0], [1], [0, 0, 1, 1], [], []>, precision = #tpu.contract_precision<fp32>, transpose_lhs_hint = false} : vector<1000x128xf32>, vector<128x64xf32>, vector<1000x64xf32> -> vector<1000x64xf32>
    %swap3A = arith.constant 0 : index
    %swap3A_33 = arith.constant 0 : index
    %swap3A_34 = vector.load %arg8[%swap3A, %swap3A_33] : memref<1000x64xf32, #tpu.memory_space<vmem>>, vector<1000x64xf32>
    tpu.vector_store %arg8[%swap3A, %swap3A_33], %dot_general3A_32 {strides = array<i32>} : memref<1000x64xf32, #tpu.memory_space<vmem>>, vector<1000x64xf32>,
    return
  }
  func.func @transform_0(%arg0: i32) -> (i32, i32) {
    %c0_i32 = arith.constant 0 : i32
    %c0_i32_0 = arith.constant 0 : i32
    return %arg0, %c0_i32 : i32, i32
  }
  func.func @transform_1(%arg0: i32) -> (i32, i32) {
    %c0_i32 = arith.constant 0 : i32
    %c0_i32_0 = arith.constant 0 : i32
    return %arg0, %c0_i32 : i32, i32
  }
  func.func @transform_2(%arg0: i32) -> (i32, i32) {
    %c0_i32 = arith.constant 0 : i32
    %c0_i32_0 = arith.constant 0 : i32
    return %arg0, %c0_i32 : i32, i32
  }
  func.func @transform_3(%arg0: i32) -> (i32, i32) {
    %c0_i32 = arith.constant 0 : i32
    %c0_i32_0 = arith.constant 0 : i32
    %c0_i32_1 = arith.constant 0 : i32
    return %c0_i32, %c0_i32_0 : i32, i32
  }
  func.func @transform_4(%arg0: i32) -> (i32, i32) {
    %c0_i32 = arith.constant 0 : i32
    %c0_i32_0 = arith.constant 0 : i32
    %c0_i32_1 = arith.constant 0 : i32
    return %c0_i32, %c0_i32_0 : i32, i32
  }
  func.func @transform_5(%arg0: i32) -> (i32, i32) {
    %c0_i32 = arith.constant 0 : i32
    %c0_i32_0 = arith.constant 0 : i32
    %c0_i32_1 = arith.constant 0 : i32
    return %c0_i32, %c0_i32_0 : i32, i32
  }
  func.func @transform_6(%arg0: i32) -> (i32, i32) {
    %c0_i32 = arith.constant 0 : i32
    %c0_i32_0 = arith.constant 0 : i32
    %c0_i32_1 = arith.constant 0 : i32
    return %c0_i32, %c0_i32_0 : i32, i32
  }
  func.func @transform_7(%arg0: i32) -> (i32, i32) {
    %c0_i32 = arith.constant 0 : i32
    %c0_i32_0 = arith.constant 0 : i32
    return %arg0, %c0_i32 : i32, i32
  }
}

module attributes {stable_mosaic.version = 14 : i64} {
  func.func @_final_body(%arg0: i32, %arg1: memref<1000x64xf32, #tpu.memory_space<vmem>>, %arg2: memref<1000x64xf32, #tpu.memory_space<vmem>>, %arg3: memref<1000x64xf32, #tpu.memory_space<vmem>>, %arg4: memref<1x64xf32, #tpu.memory_space<vmem>>, %arg5: memref<64x40xf32, #tpu.memory_space<vmem>>, %arg6: memref<1x40xf32, #tpu.memory_space<vmem>>, %arg7: memref<1000x40xf32, #tpu.memory_space<vmem>>) attributes {dimension_semantics = [#tpu.dimension_semantics<arbitrary>], iteration_bounds = array<i64: 10>, scalar_prefetch = 0 : i64, scratch_operands = 0 : i64, tpu.core_type = #tpu.core_type<tc>, window_params = [{transform_indices = @transform_0, window_bounds = array<i64: 1000, 64>}, {transform_indices = @transform_1, window_bounds = array<i64: 1000, 64>}, {transform_indices = @transform_2, window_bounds = array<i64: 1000, 64>}, {pipeline_mode = #tpu.pipeline_mode<synchronous>, transform_indices = @transform_3, window_bounds = array<i64: 1, 64>}, {pipeline_mode = #tpu.pipeline_mode<synchronous>, transform_indices = @transform_4, window_bounds = array<i64: 64, 40>}, {pipeline_mode = #tpu.pipeline_mode<synchronous>, transform_indices = @transform_5, window_bounds = array<i64: 1, 40>}, {transform_indices = @transform_6, window_bounds = array<i64: 1000, 40>}]} {
    %get3A = arith.constant 0 : index
    %get3A_0 = arith.constant 0 : index
    %get3A_1 = vector.load %arg1[%get3A, %get3A_0] : memref<1000x64xf32, #tpu.memory_space<vmem>>, vector<1000x64xf32>
    %get3A_2 = arith.constant 0 : index
    %get3A_3 = arith.constant 0 : index
    %get3A_4 = vector.load %arg2[%get3A_2, %get3A_3] : memref<1000x64xf32, #tpu.memory_space<vmem>>, vector<1000x64xf32>
    %add3A = arith.addf %get3A_1, %get3A_4 : vector<1000x64xf32>
    %get3A_5 = arith.constant 0 : index
    %get3A_6 = arith.constant 0 : index
    %get3A_7 = vector.load %arg3[%get3A_5, %get3A_6] : memref<1000x64xf32, #tpu.memory_space<vmem>>, vector<1000x64xf32>
    %add3A_8 = arith.addf %add3A, %get3A_7 : vector<1000x64xf32>
    %get3A_9 = arith.constant 0 : index
    %get3A_10 = arith.constant 0 : index
    %get3A_11 = vector.load %arg4[%get3A_9, %get3A_10] : memref<1x64xf32, #tpu.memory_space<vmem>>, vector<1x64xf32>
    %add3A_12 = vector.broadcast %get3A_11 : vector<1x64xf32> to vector<1000x64xf32>
    %add3A_13 = arith.addf %add3A_8, %add3A_12 : vector<1000x64xf32>
    %max3A = arith.constant 0.000000e+00 : f32
    %max3A_14 = vector.broadcast %max3A : f32 to vector<1000x64xf32>
    %max3A_15 = arith.maximumf %add3A_13, %max3A_14 : vector<1000x64xf32>
    %get3A_16 = arith.constant 0 : index
    %get3A_17 = arith.constant 0 : index
    %get3A_18 = vector.load %arg5[%get3A_16, %get3A_17] : memref<64x40xf32, #tpu.memory_space<vmem>>, vector<64x40xf32>
    %dot_general3A = arith.constant dense<0.000000e+00> : vector<1000x40xf32>
    %dot_general3A_19 = tpu.matmul %max3A_15, %get3A_18, %dot_general3A {dimension_numbers = #tpu.dot_dimension_numbers<[1], [0], [0], [1], [0, 0, 1, 1], [], []>, precision = #tpu.contract_precision<fp32>, transpose_lhs_hint = false} : vector<1000x64xf32>, vector<64x40xf32>, vector<1000x40xf32> -> vector<1000x40xf32>
    %get3A_20 = arith.constant 0 : index
    %get3A_21 = arith.constant 0 : index
    %get3A_22 = vector.load %arg6[%get3A_20, %get3A_21] : memref<1x40xf32, #tpu.memory_space<vmem>>, vector<1x40xf32>
    %add3A_23 = vector.broadcast %get3A_22 : vector<1x40xf32> to vector<1000x40xf32>
    %add3A_24 = arith.addf %dot_general3A_19, %add3A_23 : vector<1000x40xf32>
    %swap3A = arith.constant 0 : index
    %swap3A_25 = arith.constant 0 : index
    %swap3A_26 = vector.load %arg7[%swap3A, %swap3A_25] : memref<1000x40xf32, #tpu.memory_space<vmem>>, vector<1000x40xf32>
    tpu.vector_store %arg7[%swap3A, %swap3A_25], %add3A_24 {strides = array<i32>} : memref<1000x40xf32, #tpu.memory_space<vmem>>, vector<1000x40xf32>,
    return
  }
  func.func @transform_0(%arg0: i32) -> (i32, i32) {
    %c0_i32 = arith.constant 0 : i32
    %c0_i32_0 = arith.constant 0 : i32
    return %arg0, %c0_i32 : i32, i32
  }
  func.func @transform_1(%arg0: i32) -> (i32, i32) {
    %c0_i32 = arith.constant 0 : i32
    %c0_i32_0 = arith.constant 0 : i32
    return %arg0, %c0_i32 : i32, i32
  }
  func.func @transform_2(%arg0: i32) -> (i32, i32) {
    %c0_i32 = arith.constant 0 : i32
    %c0_i32_0 = arith.constant 0 : i32
    return %arg0, %c0_i32 : i32, i32
  }
  func.func @transform_3(%arg0: i32) -> (i32, i32) {
    %c0_i32 = arith.constant 0 : i32
    %c0_i32_0 = arith.constant 0 : i32
    %c0_i32_1 = arith.constant 0 : i32
    return %c0_i32, %c0_i32_0 : i32, i32
  }
  func.func @transform_4(%arg0: i32) -> (i32, i32) {
    %c0_i32 = arith.constant 0 : i32
    %c0_i32_0 = arith.constant 0 : i32
    %c0_i32_1 = arith.constant 0 : i32
    return %c0_i32, %c0_i32_0 : i32, i32
  }
  func.func @transform_5(%arg0: i32) -> (i32, i32) {
    %c0_i32 = arith.constant 0 : i32
    %c0_i32_0 = arith.constant 0 : i32
    %c0_i32_1 = arith.constant 0 : i32
    return %c0_i32, %c0_i32_0 : i32, i32
  }
  func.func @transform_6(%arg0: i32) -> (i32, i32) {
    %c0_i32 = arith.constant 0 : i32
    %c0_i32_0 = arith.constant 0 : i32
    return %arg0, %c0_i32 : i32, i32
  }
}

</mosaic_0001>

<sc_bundles>
// kernel: kernel.12.cloned.1.call-start
scs
__scs_entry_jumppad:
0x0: {  	(pc) =	sbr.rel $0x88, $3  }
0x1: {  	(tag) =	ssettag $0x0;
	lr =	simm.s32 $0x1  }
0x2: {  	[smem:$0x3F93] =	sst lr;
	_ =	strace $0xD0000000  }
0x3: {  	_ = 	snop  }
0x4: {  	_ = 	snop  }
0x5: {  	_ = 	snop  }
0x6: {  	_ = 	snop  }
0x7: {  	_ = 	snop  }
__scs_overlays_trampoline_lowered:
0x8: {  	[smem:$0x3FA2] =	sst s0  }
0x9: {  	[smem:$0x3FA3] =	sst s1  }
0xa: {  	[smem:$0x3FA4] =	sst s2  }
0xb: {  	[smem:$0x3FA5] =	sst s3  }
0xc: {  	[smem:$0x3FA6] =	sst s4  }
0xd: {  	[smem:$0x3FA7] =	sst s5  }
0xe: {  	[smem:$0x3FA8] =	sst s6  }
0xf: {  	[smem:$0x3FA9] =	sst s7  }
0x10: {  	[smem:$0x3FAA] =	sst s8  }
0x11: {  	[smem:$0x3FAB] =	sst s9;
	s0 =	simm.s32 @!p0 $0x0  }
0x12: {  	s1 =	sld [smem:$0x3F91];
	s0 =	simm.s32 @p0 $0x1  }
0x13: {  	[smem:$0x3FAC] =	sst s0;
	s0 =	simm.s32 @!p1 $0x0  }
0x14: {  	s2 =	sld [smem:$0x3F90];
	s0 =	simm.s32 @p1 $0x1  }
0x15: {  	[smem:$0x3FAD] =	sst s0;
	s0 =	simm.s32 @!p2 $0x0  }
0x16: {  	s3 =	sld [smem:$0x3FDB];
	s0 =	simm.s32 @p2 $0x1  }
0x17: {  	s4 =	simm.s32 $0x1BF5;
	[smem:$0x3FAF] =	sst s0  }
0x18: {  	s0 =	sld [smem:$0x3F92];
	_ =	swait.ge [sflag:s4], $0x0  }
0x19: {  	s7 =	sld [smem:$0x3F93]  }
0x1a: {  	s8 =	sadd.s32 $0xFFFFE003, lr  }
0x1b: {  	s9 =	sadd.s32 $0xFFFFFEF7, lr;
	s5 =	simm.s32 $0xFFFFFFFF;
	p2 =	slt.u32 s8, $0xFFFFF086  }
0x1c: {  	p1 =	slt.u32 s9, $0xF7A;
	s5 =	simm.s32 @!p2 $0x0  }
0x1d: {  	s5 =	simm.s32 @p1 $0x1;
	p0 =	seq.s32 s7, s2  }
0x1e: {  	s7 =	smul.u32 @!p0 $0xF7A, s2;
	p2 =	seq.s32 @!p0 s5, $0x0  }
0x1f: {  	s9 =	smul.u32 $0xF7A, s1;
	s8 =	simm.s32 @!p0 $0x1BF5;
	p2 =	por !p2, p0  }
0x20: {  	[sflag:s8] =	ssyncset.s32 @!p0 $0xFFFFF086;
	s6 =	sadd.s32 @!p0 s3, s7;
	s7 =	simm.s32 @!p0 $0x108  }
0x21: {  	s3 =	sadd.s32 s3, s9;
	s6 =	sadd.s32 @!p0 $0x88, s6;
	s7 =	simm.s32 @p2 $0x1082  }
0x22: {  	[simem:s7], [sflag:s8] =	dma.local @!p0 [hbm:s6], $0xF7A  }
0x23: {  	s9 =	sor.u32 $0xD0000000, s2;
	s6 =	simm.s32 $0x108;
	_ =	swait.ge @!p0 [sflag:s8], $0x0  }
0x24: {  	s3 =	sadd.s32 $0x88, s3;
	s6 =	simm.s32 @!p1 $0x1082;
	[sflag:s4] =	ssyncset.s32 $0xFFFFF086  }
0x25: {  	[simem:s6], [sflag:s4] =	dma.local [hbm:s3], $0xF7A  }
0x26: {  	[smem:$0x3F93] =	sst s1;
	(tag) =	ssettag s2;
	_ =	strace s9  }
0x27: {  	s1 =	sld [smem:$0x3FA3]  }
0x28: {  	s2 =	sld [smem:$0x3FA4]  }
0x29: {  	s4 =	sld [smem:$0x3FA6]  }
0x2a: {  	p0 =	seq.s32 s5, $0x0;
	s5 =	sld [smem:$0x3FA7]  }
0x2b: {  	s6 =	sld [smem:$0x3FA8]  }
0x2c: {  	s7 =	sld [smem:$0x3FA9]  }
0x2d: {  	s3 =	simm.s32 $0x108;
	s8 =	sld [smem:$0x3FAA]  }
0x2e: {  	s3 =	simm.s32 @!p0 $0x1082;
	s9 =	sld [smem:$0x3FAB]  }
0x2f: {  	lr =	sadd.s32 s0, s3;
	s0 =	sld [smem:$0x3FA2]  }
0x30: {  	s3 =	sld [smem:$0x3FA5]  }
0x31: {  	[smem:$0x3FAE] =	sst s10  }
0x32: {  	s10 =	sld [smem:$0x3FAC];
	_ =	sdelay $0x3  }
0x33: {  	p0 =	seq.s32 s10, $0x1;
	s10 =	sld [smem:$0x3FAE];
	_ =	sdelay $0x3  }
0x34: {  	[smem:$0x3FAE] =	sst s10  }
0x35: {  	s10 =	sld [smem:$0x3FAD];
	_ =	sdelay $0x3  }
0x36: {  	p1 =	seq.s32 s10, $0x1;
	s10 =	sld [smem:$0x3FAE];
	_ =	sdelay $0x3  }
0x37: {  	[smem:$0x3FAE] =	sst s10  }
0x38: {  	s10 =	sld [smem:$0x3FAF]  }
0x39: {  	_ = 	snop;
	(pc) =	sbr.ind lr, $3  }
0x3a: {  	_ = 	snop  }
0x3b: {  	_ = 	snop  }
0x3c: {  	p2 =	seq.s32 s10, $0x1;
	s10 =	sld [smem:$0x3FAE]  }
0x3d: {  	_ =	shalt  }
0x3e: {  	_ =	shalt  }
0x3f: {  	_ =	shalt  }
0x40: {  	_ =	shalt  }
0x41: {  	_ =	shalt  }
0x42: {  	_ =	shalt  }
0x43: {  	_ =	shalt  }
0x44: {  	_ =	shalt  }
0x45: {  	_ =	shalt  }
0x46: {  	_ =	shalt  }
0x47: {  	_ =	shalt  }
0x48: {  	_ =	shalt  }
0x49: {  	_ =	shalt  }
0x4a: {  	_ =	shalt  }
0x4b: {  	_ =	shalt  }
0x4c: {  	_ =	shalt  }
0x4d: {  	_ =	shalt  }
0x4e: {  	_ =	shalt  }
0x4f: {  	_ =	shalt  }
0x50: {  	_ =	shalt  }
0x51: {  	_ =	shalt  }
0x52: {  	_ =	shalt  }
0x53: {  	_ =	shalt  }
0x54: {  	_ =	shalt  }
0x55: {  	_ =	shalt  }
0x56: {  	_ =	shalt  }
0x57: {  	_ =	shalt  }
0x58: {  	_ =	shalt  }
0x59: {  	_ =	shalt  }
0x5a: {  	_ =	shalt  }
0x5b: {  	_ =	shalt  }
0x5c: {  	_ =	shalt  }
0x5d: {  	_ =	shalt  }
0x5e: {  	_ =	shalt  }
0x5f: {  	_ =	shalt  }
0x60: {  	_ =	shalt  }
0x61: {  	_ =	shalt  }
0x62: {  	_ =	shalt  }
0x63: {  	_ =	shalt  }
0x64: {  	_ =	shalt  }
0x65: {  	_ =	shalt  }
0x66: {  	_ =	shalt  }
0x67: {  	_ =	shalt  }
0x68: {  	_ =	shalt  }
0x69: {  	_ =	shalt  }
0x6a: {  	_ =	shalt  }
0x6b: {  	_ =	shalt  }
0x6c: {  	_ =	shalt  }
0x6d: {  	_ =	shalt  }
0x6e: {  	_ =	shalt  }
0x6f: {  	_ =	shalt  }
0x70: {  	_ =	shalt  }
0x71: {  	_ =	shalt  }
0x72: {  	_ =	shalt  }
0x73: {  	_ =	shalt  }
0x74: {  	_ =	shalt  }
0x75: {  	_ =	shalt  }
0x76: {  	_ =	shalt  }
0x77: {  	_ =	shalt  }
0x78: {  	_ =	shalt  }
0x79: {  	_ =	shalt  }
0x7a: {  	_ =	shalt  }
0x7b: {  	_ =	shalt  }
0x7c: {  	_ =	shalt  }
0x7d: {  	_ =	shalt  }
0x7e: {  	_ =	shalt  }
0x7f: {  	_ =	shalt  }
0x80: {  	_ =	shalt  }
0x81: {  	_ =	shalt  }
0x82: {  	_ =	shalt  }
0x83: {  	_ =	shalt  }
0x84: {  	_ =	shalt  }
0x85: {  	_ =	shalt  }
0x86: {  	_ =	shalt  }
0x87: {  	_ =	shalt  }
.Lfunc_end0:
.L_simem_size_0:
called_computation.1_lowered:
.L_overlay_start_0:
0x88: {  	s2 =	sld [smem:$0x3FD9]  }
0x89: {  	s3 =	sld [smem:$0x3FFE];
	_ =	sdelay $0x1  }
0x8a: {  	s1 =	srdreg.scid  }
0x8b: {  	s0 =	sand.u32 $0x1, s1  }
0x8c: {  	s16 =	sshll.u32 s0, $0xA;
	s2 =	sadd.s32 s3, s2  }
0x8d: {  	s2 =	sadd.s32 s2, s16  }
0x8e: {  	[smem:$0x3FBA] =	sst s2  }
0x8f: {  	_ = 	snop  }
0x90: {  	(tm) =	ssettm $0x1  }
0x91: {  	s17 =	sld [smem:$0x3FFB];
	_ =	sdelay $0x3  }
0x92: {  	_ =	strace s17  }
0x93: {  	s2 =	sld [smem:$0x3FFC];
	_ =	sdelay $0x3  }
0x94: {  	_ =	strace s2  }
0x95: {  	s2 =	sld [smem:$0x3FFD];
	_ =	sdelay $0x3  }
0x96: {  	_ =	strace s2  }
0x97: {  	_ =	strace $0x8FFFFFFF  }
0x98: {  	s18 =	sld [smem:$0x3FDB];
	_ =	sdelay $0x1  }
0x99: {  	s19 =	simm.s32 $_scs_section_size  }
0x9a: {  	s4 =	simm.s32 $_size__tile_overlayer_lowered;
	s5 =	simm.s32 $_tile_overlayer_lowered  }
0x9b: {  	s22 =	simm.s32 $0x1BFF;
	s21 =	sshll.u32 s5, $0x1;
	s2 =	sadd.s32 s19, s18  }
0x9c: {  	s6 =	simm.s32 $0x0;
	s20 =	sshll.u32 s4, $0x1;
	s4 =	sadd.s32 s21, s2  }
0x9d: {  	[timem:s6], [sflag:s22] =	dma.local [hbm:s4], s20  }
0x9e: {  	_ =	swait.ge [sflag:s22], s20  }
0x9f: {  	s3 =	ssub.s32 $0x0, s20;
	[sflag:s22] =	ssyncset.done $0x0  }
0xa0: {  	[sflag:s22] =	ssyncadd.s32 s3;
	_ =	sdelay $0x1  }
0xa1: {  	s23 =	simm.s32 $0x1B8B  }
0xa2: {  	_ =	swait.ge [sflag:s23], $0x1  }
0xa3: {  	[sflag:s23] =	ssyncset.done $0x0  }
0xa4: {  	s25 =	simm.s32 $0x1B8E;
	s24 =	sld [smem:$0x3FFE];
	[sflag:s23] =	ssyncadd.s32 $0xFFFFFFFF  }
0xa5: {  	s26 =	simm.s32 $execute0_lowered;
	[smem:$0x3FD2] =	sst s25  }
0xa6: {  	s4 =	sshll.u32 s26, $0x1;
	_ =	strace $0x80000049;
	[dreg:$0x1] =	wrdreg $0xFFFFFFFF  }
0xa7: {  	s28 =	simm.s32 $_size_execute0_lowered;
	s2 =	sadd.s32 s2, s4;
	[dreg:$0x0] =	wrdreg $0x0  }
0xa8: {  	s4 =	sshll.u32 s28, $0x1;
	[dreg:$0x2] =	wrdreg s2  }
0xa9: {  	[dreg:$0x3] =	wrdreg s4  }
0xaa: {  	[dreg:$0x4] =	wrdreg $0xC0  }
0xab: {  	_ =	task [dreg:s6], $0x5FFFF  }
0xac: {  	[dreg:$0x1] =	wrdreg $0xFFFFFFFF  }
0xad: {  	[dreg:$0x0] =	wrdreg $0x60  }
0xae: {  	[dreg:$0x2] =	wrdreg s24  }
0xaf: {  	[dreg:$0x3] =	wrdreg $0xA8000  }
0xb0: {  	[dreg:$0x4] =	wrdreg $0x9  }
0xb1: {  	_ =	task.clear_ibuf [dreg:s6], $0x5FFFF;
	_ =	strace $0x90000049  }
0xb2: {  	s29 =	simm.s32 $0x9;
	_ =	strace $0x8000004B  }
0xb3: {  	_ =	swait.ge [sflag:s29], $0x1  }
0xb4: {  	[sflag:s29] =	ssyncadd.s32 $0xFFFFFFFF  }
0xb5: {  	_ =	strace $0x9000004B  }
0xb6: {  	_ =	sfence  }
0xb7: {  	s30 =	sld [smem:$0x0];
	_ =	sdelay $0x2  }
0xb8: {  	s31 =	sshll.u32 s1, $0xD;
	s1 =	sshrl.u32 s1, $0x2  }
0xb9: {  	s3 =	sand.u32 $0x4000, s31;
	s1 =	sadd.s32 s1, s30  }
0xba: {  	s0 =	sor.u32 s3, s0;
	s1 =	sshll.u32 s1, $0x11  }
0xbb: {  	s0 =	sor.u32 s1, s0  }
0xbc: {  	s0 =	sadd.s32 $0x8F2B, s0  }
0xbd: {  	[sflag:s0] =	ssyncadd.remote.s32 $0x1  }
0xbe: {  	_ =	sfence.sel $0xFFFF  }
0xbf: {  	[dreg:$0x0] =	wrdreg $0xFFFFFFFF;
	(pc) =	sbr.abs _section_cstart, $3  }
0xc0: {  	[dreg:$0x1] =	wrdreg $0xFFFFFFFF  }
0xc1: {  	_ =	task.clear_ibuf [dreg:s6], $0x2FFFF;
	_ =	strace $0x9FFFFFFF  }
0xc2: {  	(tm) =	ssettm $0x7FFFFFFF  }
0xc3: {  	_ =	shalt  }
tec
execute0_lowered:
.L_overlay_start_1:
0x0: {  	(tag) =	ssettag $0x1  }
0x1: {  	s6 =	rddreg [dreg:$0x0]  }
0x2: {  	s1 =	rddreg [dreg:$0x1]  }
0x3: {  	s0 =	rddreg [dreg:$0x2]  }
0x4: {  	s3 =	simm.s32 $0x0;
	s2 =	srdreg.scid;
	s14 =	simm.s32 $0x50  }
0x5: {  	s15 =	simm.s32 $0x8000;
	s16 =	simm.s32 $0x1;
	s17 =	simm.s32 $0x0  }
0x6: {  	[smem:$0x7FF] =	sst s3;
	s5 =	sand.u32 $0x1, s2;
	s2 =	stileid.u32  }
0x7: {  	s4 =	sadd.s32 $0x2DA00, s6;
	s7 =	smul.u32 $0x13C000, s5;
	s8 =	sshll.u32 s5, $0xF  }
0x8: {  	s9 =	sshll.u32 s2, $0xB;
	s10 =	smul.u32 $0x13C00, s2;
	_ =	strace $0x8000004A  }
0x9: {  	s28 =	ssub.s32 $0x2, s5;
	s11 =	smul.u32 $0x4F000, s2;
	s5 =	sadd.s32 $0x54C00, s6  }
0xa: {  	s31 =	sshll.u32 s2, $0x6;
	s8 =	sor.u32 s9, s8;
	s29 =	sshrl.u32 s28, $0x1  }
0xb: {  	s8 =	sadd.s32 s8, s6;
	s7 =	sadd.s32 s10, s7;
	s9 =	ssub.s32 s28, s29  }
0xc: {  	s30 =	sshrl.u32 s11, $0x2;
	s10 =	simm.s32 $0x2;
	s11 =	simm.s32 $0x4000  }
0xd: {  	s7 =	sshrl.u32 s7, $0x3;
	s13 =	sadd.s32 s30, s1;
	s9 =	smax.u32 s9, $0x1  }
0xe: {  	s12 =	sadd.s32 s7, s6;
	s6 =	sadd.s32 $0xDA00, s8;
	s7 =	sadd.s32 $0x1DA00, s8  }
0xf: {  	s13 =	sshrl.u32 s13, $0x3;
	s8 =	sadd.s32 $0x57400, s12;
	s12 =	sor.u32 $0x1C02, s31  }
.LBB2_1:
0x10: {  	[tilespmem:s3], [sflag:$0x2] =	stream.linear.gather [hbm4b:s6+s3], $0x3E80, $0x38;
	[tilespmem:$0x1E400] =	vst v63  }
0x11: {  	_ =	swait.ge [sflag:s10], $0x3E80  }
0x12: {  	[sflag:s10] =	ssyncset.done $0x0  }
0x13: {  	[sflag:s10] =	ssyncadd.s32 $0xFFFFC180  }
0x14: {  	[tilespmem:s11], [sflag:$0x2] =	stream.linear.gather [hbm4b:s7+s3], $0x3E80, $0x38;
	[tilespmem:$0x1E400] =	vst v63  }
0x15: {  	_ =	swait.ge [sflag:s10], $0x3E80  }
0x16: {  	[sflag:s10] =	ssyncset.done $0x0  }
0x17: {  	[sflag:s10] =	ssyncadd.s32 $0xFFFFC180  }
0x18: {  	[spmem:s13], [sflag:s12] =	dma.local [hbm:s5], $0x2780  }
0x19: {  	_ =	swait.ge [sflag:s10], $0x2780  }
0x1a: {  	[sflag:s10] =	ssyncset.done $0x0  }
0x1b: {  	[sflag:s10] =	ssyncadd.s32 $0xFFFFD880  }
0x1c: {  	s18 =	simm.s32 $0x0;
	[bflag:$0x0] =	sbarrier.arrive $0xFFFF  }
0x1d: {  	[tilespmem:s15], [sflag:$0x1] =	stream.indirect.gather [hbm4b:s4+s14], $0x80, s18, s14, $0xb8;
	[tilespmem:$0x1E400] =	vst v63  }
0x1e: {  	_ =	swait.ge [sflag:s16], $0x2800  }
0x1f: {  	[sflag:s16] =	ssyncset.done $0x0  }
0x20: {  	s31 =	simm.s32 $0x4000;
	[sflag:s16] =	ssyncadd.s32 $0xFFFFD800  }
0x21: {  	[spmem:s1] =	stream.indirect.scatter.add.f32 [tilespmem:s15], [sflag:$0x2], $0x80, s31, s14, $0xb8;
	[tilespmem:$0x1E400] =	vst v63  }
0x22: {  	_ =	swait.ge [sflag:s10], $0x2800  }
0x23: {  	s19 =	simm.s32 $0x400;
	s18 =	simm.s32 $0x200;
	[sflag:s10] =	ssyncset.done $0x0  }
.LBB2_2:
0x24: {  	s20 =	sshra.s32 s18, $0x2  }
0x25: {  	[sflag:s10] =	ssyncadd.s32 $0xFFFFD800;
	s18 =	smov.u32 s19;
	s21 =	sadd.s32 $0x200, s19  }
0x26: {  	[tilespmem:s15], [sflag:$0x1] =	stream.indirect.gather [hbm4b:s4+s14], $0x80, s20, s14, $0xb8;
	[tilespmem:$0x1E400] =	vst v63  }
0x27: {  	p0 =	sne.s32 s19, $0xF800;
	_ =	swait.ge [sflag:s16], $0x2800  }
.Ltmp0:
0x28: {  	[sflag:s16] =	ssyncset.done $0x0;
	(pc) =	sbr.rel @p0 .LBB2_2-.Ltmp0, $4  }
0x29: {  	s19 =	sadd.s32 $0x4000, s20;
	[sflag:s16] =	ssyncadd.s32 $0xFFFFD800  }
0x2a: {  	[spmem:s1] =	stream.indirect.scatter.add.f32 [tilespmem:s15], [sflag:$0x2], $0x80, s19, s14, $0xb8;
	[tilespmem:$0x1E400] =	vst v63  }
0x2b: {  	_ =	swait.ge [sflag:s10], $0x2800  }
0x2c: {  	s19 =	smov.u32 s21;
	[sflag:s10] =	ssyncset.done $0x0  }
0x2d: {  	s18 =	sshra.s32 s18, $0x2;
	[sflag:s10] =	ssyncadd.s32 $0xFFFFD800  }
0x2e: {  	[tilespmem:s15], [sflag:$0x1] =	stream.indirect.gather [hbm4b:s4+s14], $0x80, s18, s14, $0xb8;
	[tilespmem:$0x1E400] =	vst v63  }
0x2f: {  	_ =	swait.ge [sflag:s16], $0x2800  }
0x30: {  	[sflag:s16] =	ssyncset.done $0x0  }
0x31: {  	s18 =	sadd.s32 $0x4000, s18;
	[sflag:s16] =	ssyncadd.s32 $0xFFFFD800  }
0x32: {  	[spmem:s1] =	stream.indirect.scatter.add.f32 [tilespmem:s15], [sflag:$0x2], $0x80, s18, s14, $0xb8;
	[tilespmem:$0x1E400] =	vst v63  }
0x33: {  	_ =	swait.ge [sflag:s10], $0x2800  }
0x34: {  	s17 =	sadd.s32 $0x1, s17;
	[sflag:s10] =	ssyncset.done $0x0  }
0x35: {  	p0 =	sne.s32 s17, s9;
	[sflag:s10] =	ssyncadd.s32 $0xFFFFD800  }
.Ltmp1:
0x36: {  	[bflag:$0x0] =	sbarrier.arrive $0xFFFF;
	(pc) =	sbr.rel @p0 .LBB2_1-.Ltmp1, $4  }
0x37: {  	[hbm:s8], [sflag:s12] =	dma.local [spmem:s13], $0x2780  }
0x38: {  	_ =	swait.ge [sflag:s10], $0x2780  }
0x39: {  	[sflag:s10] =	ssyncset.done $0x0  }
0x3a: {  	[sflag:s10] =	ssyncadd.s32 $0xFFFFD880  }
0x3b: {  	_ =	sfence.sel $0x180000  }
0x3c: {  	[bflag:$0x0] =	sbarrier.arrive $0xFFFF  }
0x3d: {  	p0 =	sne.s32 s2, $0x0;
	_ =	strace $0x9000004A  }
0x3e: {  	s0 =	sadd.s32 @!p0 $0x100000, s0;
	[bflag:$0x2] =	sbarrier.arrive $0xFFFF  }
0x3f: {  	[sflag:s0] =	ssyncadd.tile.s32 @!p0 $0x1;
	_ =	shalt  }
.Lfunc_end2:
_tile_overlayer_lowered:
.L_overlay_start_2:
0x40: {  	(tag) =	ssettag $0x2  }
0x41: {  	s0 =	rddreg [dreg:$0x0];
	s2 =	stileid.u32  }
0x42: {  	s1 =	rddreg [dreg:$0x1];
	p0 =	sne.s32 s2, $0x0  }
0x43: {  	s3 =	rddreg [dreg:$0x2];
	[bflag:$0x3] =	sbarrier.arrive $0xFFFF;
	s2 =	simm.s32 @!p0 $0x1C02  }
0x44: {  	[timem:s3], [sflag:s2] =	dma.local @!p0 [hbm:s0], s1  }
0x45: {  	s0 =	simm.s32 @!p0 $0x2  }
0x46: {  	_ =	swait.ge @!p0 [sflag:s0], s1  }
0x47: {  	s1 =	ssub.s32 @!p0 $0x0, s1;
	[sflag:s0] =	ssyncset.done @!p0 $0x0  }
0x48: {  	[sflag:s0] =	ssyncadd.s32 @!p0 s1  }
0x49: {  	[bflag:$0x3] =	sbarrier.arrive $0xFFFF  }
0x4a: {  	_ =	shalt  }

// kernel: kernel.15.cloned.1.call-start
scs
__scs_entry_jumppad:
0x0: {  	(pc) =	sbr.rel $0x88, $3  }
0x1: {  	(tag) =	ssettag $0x0;
	lr =	simm.s32 $0x1  }
0x2: {  	[smem:$0x3F93] =	sst lr;
	_ =	strace $0xD0000000  }
0x3: {  	_ = 	snop  }
0x4: {  	_ = 	snop  }
0x5: {  	_ = 	snop  }
0x6: {  	_ = 	snop  }
0x7: {  	_ = 	snop  }
__scs_overlays_trampoline_lowered:
0x8: {  	[smem:$0x3FA2] =	sst s0  }
0x9: {  	[smem:$0x3FA3] =	sst s1  }
0xa: {  	[smem:$0x3FA4] =	sst s2  }
0xb: {  	[smem:$0x3FA5] =	sst s3  }
0xc: {  	[smem:$0x3FA6] =	sst s4  }
0xd: {  	[smem:$0x3FA7] =	sst s5  }
0xe: {  	[smem:$0x3FA8] =	sst s6  }
0xf: {  	[smem:$0x3FA9] =	sst s7  }
0x10: {  	[smem:$0x3FAA] =	sst s8  }
0x11: {  	[smem:$0x3FAB] =	sst s9;
	s0 =	simm.s32 @!p0 $0x0  }
0x12: {  	s1 =	sld [smem:$0x3F91];
	s0 =	simm.s32 @p0 $0x1  }
0x13: {  	[smem:$0x3FAC] =	sst s0;
	s0 =	simm.s32 @!p1 $0x0  }
0x14: {  	s2 =	sld [smem:$0x3F90];
	s0 =	simm.s32 @p1 $0x1  }
0x15: {  	[smem:$0x3FAD] =	sst s0;
	s0 =	simm.s32 @!p2 $0x0  }
0x16: {  	s3 =	sld [smem:$0x3FDB];
	s0 =	simm.s32 @p2 $0x1  }
0x17: {  	s4 =	simm.s32 $0x1BF5;
	[smem:$0x3FAF] =	sst s0  }
0x18: {  	s0 =	sld [smem:$0x3F92];
	_ =	swait.ge [sflag:s4], $0x0  }
0x19: {  	s7 =	sld [smem:$0x3F93]  }
0x1a: {  	s8 =	sadd.s32 $0xFFFFE003, lr  }
0x1b: {  	s9 =	sadd.s32 $0xFFFFFEF7, lr;
	s5 =	simm.s32 $0xFFFFFFFF;
	p2 =	slt.u32 s8, $0xFFFFF086  }
0x1c: {  	p1 =	slt.u32 s9, $0xF7A;
	s5 =	simm.s32 @!p2 $0x0  }
0x1d: {  	s5 =	simm.s32 @p1 $0x1;
	p0 =	seq.s32 s7, s2  }
0x1e: {  	s7 =	smul.u32 @!p0 $0xF7A, s2;
	p2 =	seq.s32 @!p0 s5, $0x0  }
0x1f: {  	s9 =	smul.u32 $0xF7A, s1;
	s8 =	simm.s32 @!p0 $0x1BF5;
	p2 =	por !p2, p0  }
0x20: {  	[sflag:s8] =	ssyncset.s32 @!p0 $0xFFFFF086;
	s6 =	sadd.s32 @!p0 s3, s7;
	s7 =	simm.s32 @!p0 $0x108  }
0x21: {  	s3 =	sadd.s32 s3, s9;
	s6 =	sadd.s32 @!p0 $0x88, s6;
	s7 =	simm.s32 @p2 $0x1082  }
0x22: {  	[simem:s7], [sflag:s8] =	dma.local @!p0 [hbm:s6], $0xF7A  }
0x23: {  	s9 =	sor.u32 $0xD0000000, s2;
	s6 =	simm.s32 $0x108;
	_ =	swait.ge @!p0 [sflag:s8], $0x0  }
0x24: {  	s3 =	sadd.s32 $0x88, s3;
	s6 =	simm.s32 @!p1 $0x1082;
	[sflag:s4] =	ssyncset.s32 $0xFFFFF086  }
0x25: {  	[simem:s6], [sflag:s4] =	dma.local [hbm:s3], $0xF7A  }
0x26: {  	[smem:$0x3F93] =	sst s1;
	(tag) =	ssettag s2;
	_ =	strace s9  }
0x27: {  	s1 =	sld [smem:$0x3FA3]  }
0x28: {  	s2 =	sld [smem:$0x3FA4]  }
0x29: {  	s4 =	sld [smem:$0x3FA6]  }
0x2a: {  	p0 =	seq.s32 s5, $0x0;
	s5 =	sld [smem:$0x3FA7]  }
0x2b: {  	s6 =	sld [smem:$0x3FA8]  }
0x2c: {  	s7 =	sld [smem:$0x3FA9]  }
0x2d: {  	s3 =	simm.s32 $0x108;
	s8 =	sld [smem:$0x3FAA]  }
0x2e: {  	s3 =	simm.s32 @!p0 $0x1082;
	s9 =	sld [smem:$0x3FAB]  }
0x2f: {  	lr =	sadd.s32 s0, s3;
	s0 =	sld [smem:$0x3FA2]  }
0x30: {  	s3 =	sld [smem:$0x3FA5]  }
0x31: {  	[smem:$0x3FAE] =	sst s10  }
0x32: {  	s10 =	sld [smem:$0x3FAC];
	_ =	sdelay $0x3  }
0x33: {  	p0 =	seq.s32 s10, $0x1;
	s10 =	sld [smem:$0x3FAE];
	_ =	sdelay $0x3  }
0x34: {  	[smem:$0x3FAE] =	sst s10  }
0x35: {  	s10 =	sld [smem:$0x3FAD];
	_ =	sdelay $0x3  }
0x36: {  	p1 =	seq.s32 s10, $0x1;
	s10 =	sld [smem:$0x3FAE];
	_ =	sdelay $0x3  }
0x37: {  	[smem:$0x3FAE] =	sst s10  }
0x38: {  	s10 =	sld [smem:$0x3FAF]  }
0x39: {  	_ = 	snop;
	(pc) =	sbr.ind lr, $3  }
0x3a: {  	_ = 	snop  }
0x3b: {  	_ = 	snop  }
0x3c: {  	p2 =	seq.s32 s10, $0x1;
	s10 =	sld [smem:$0x3FAE]  }
0x3d: {  	_ =	shalt  }
0x3e: {  	_ =	shalt  }
0x3f: {  	_ =	shalt  }
0x40: {  	_ =	shalt  }
0x41: {  	_ =	shalt  }
0x42: {  	_ =	shalt  }
0x43: {  	_ =	shalt  }
0x44: {  	_ =	shalt  }
0x45: {  	_ =	shalt  }
0x46: {  	_ =	shalt  }
0x47: {  	_ =	shalt  }
0x48: {  	_ =	shalt  }
0x49: {  	_ =	shalt  }
0x4a: {  	_ =	shalt  }
0x4b: {  	_ =	shalt  }
0x4c: {  	_ =	shalt  }
0x4d: {  	_ =	shalt  }
0x4e: {  	_ =	shalt  }
0x4f: {  	_ =	shalt  }
0x50: {  	_ =	shalt  }
0x51: {  	_ =	shalt  }
0x52: {  	_ =	shalt  }
0x53: {  	_ =	shalt  }
0x54: {  	_ =	shalt  }
0x55: {  	_ =	shalt  }
0x56: {  	_ =	shalt  }
0x57: {  	_ =	shalt  }
0x58: {  	_ =	shalt  }
0x59: {  	_ =	shalt  }
0x5a: {  	_ =	shalt  }
0x5b: {  	_ =	shalt  }
0x5c: {  	_ =	shalt  }
0x5d: {  	_ =	shalt  }
0x5e: {  	_ =	shalt  }
0x5f: {  	_ =	shalt  }
0x60: {  	_ =	shalt  }
0x61: {  	_ =	shalt  }
0x62: {  	_ =	shalt  }
0x63: {  	_ =	shalt  }
0x64: {  	_ =	shalt  }
0x65: {  	_ =	shalt  }
0x66: {  	_ =	shalt  }
0x67: {  	_ =	shalt  }
0x68: {  	_ =	shalt  }
0x69: {  	_ =	shalt  }
0x6a: {  	_ =	shalt  }
0x6b: {  	_ =	shalt  }
0x6c: {  	_ =	shalt  }
0x6d: {  	_ =	shalt  }
0x6e: {  	_ =	shalt  }
0x6f: {  	_ =	shalt  }
0x70: {  	_ =	shalt  }
0x71: {  	_ =	shalt  }
0x72: {  	_ =	shalt  }
0x73: {  	_ =	shalt  }
0x74: {  	_ =	shalt  }
0x75: {  	_ =	shalt  }
0x76: {  	_ =	shalt  }
0x77: {  	_ =	shalt  }
0x78: {  	_ =	shalt  }
0x79: {  	_ =	shalt  }
0x7a: {  	_ =	shalt  }
0x7b: {  	_ =	shalt  }
0x7c: {  	_ =	shalt  }
0x7d: {  	_ =	shalt  }
0x7e: {  	_ =	shalt  }
0x7f: {  	_ =	shalt  }
0x80: {  	_ =	shalt  }
0x81: {  	_ =	shalt  }
0x82: {  	_ =	shalt  }
0x83: {  	_ =	shalt  }
0x84: {  	_ =	shalt  }
0x85: {  	_ =	shalt  }
0x86: {  	_ =	shalt  }
0x87: {  	_ =	shalt  }
.Lfunc_end0:
.L_simem_size_0:
called_computation.2_lowered:
.L_overlay_start_0:
0x88: {  	s2 =	sld [smem:$0x3FD9]  }
0x89: {  	s3 =	sld [smem:$0x3FFE];
	_ =	sdelay $0x1  }
0x8a: {  	s1 =	srdreg.scid  }
0x8b: {  	s0 =	sand.u32 $0x1, s1  }
0x8c: {  	s17 =	sshll.u32 s0, $0xA;
	s2 =	sadd.s32 s3, s2  }
0x8d: {  	s2 =	sadd.s32 s2, s17  }
0x8e: {  	[smem:$0x3FBA] =	sst s2  }
0x8f: {  	_ = 	snop  }
0x90: {  	s2 =	sld [smem:$0x3FD0];
	(tm) =	ssettm $0x1  }
0x91: {  	s18 =	sld [smem:$0x3FFB];
	_ =	sdelay $0x3  }
0x92: {  	_ =	strace s18  }
0x93: {  	s3 =	sld [smem:$0x3FFC];
	_ =	sdelay $0x3  }
0x94: {  	_ =	strace s3  }
0x95: {  	s3 =	sld [smem:$0x3FFD];
	_ =	sdelay $0x3  }
0x96: {  	_ =	strace s3  }
0x97: {  	_ =	strace $0x8FFFFFFF  }
0x98: {  	s19 =	sld [smem:$0x3FDB];
	_ =	sdelay $0x1  }
0x99: {  	s4 =	simm.s32 $_scs_section_size  }
0x9a: {  	s5 =	simm.s32 $_size__tile_overlayer_lowered;
	s6 =	simm.s32 $_tile_overlayer_lowered  }
0x9b: {  	s22 =	simm.s32 $0x1BFF;
	s21 =	sshll.u32 s6, $0x1;
	s3 =	sadd.s32 s4, s19  }
0x9c: {  	s7 =	simm.s32 $0x0;
	s20 =	sshll.u32 s5, $0x1;
	s5 =	sadd.s32 s21, s3  }
0x9d: {  	[timem:s7], [sflag:s22] =	dma.local [hbm:s5], s20  }
0x9e: {  	_ =	swait.ge [sflag:s22], s20  }
0x9f: {  	s4 =	ssub.s32 $0x0, s20;
	[sflag:s22] =	ssyncset.done $0x0  }
0xa0: {  	[sflag:s22] =	ssyncadd.s32 s4;
	_ =	sdelay $0x1  }
0xa1: {  	s23 =	simm.s32 $0x1B8B  }
0xa2: {  	_ =	swait.ge [sflag:s23], $0x1  }
0xa3: {  	[sflag:s23] =	ssyncset.done $0x0  }
0xa4: {  	s25 =	simm.s32 $0x1B8E;
	s24 =	sld [smem:$0x3FFE];
	[sflag:s23] =	ssyncadd.s32 $0xFFFFFFFF  }
0xa5: {  	s26 =	simm.s32 $execute0_lowered;
	[smem:$0x3FD2] =	sst s25  }
0xa6: {  	s5 =	sshll.u32 s26, $0x1;
	_ =	strace $0x8000004C;
	[dreg:$0x1] =	wrdreg $0xFFFFFFFF  }
0xa7: {  	s28 =	simm.s32 $_size_execute0_lowered;
	s3 =	sadd.s32 s3, s5;
	[dreg:$0x0] =	wrdreg $0x0  }
0xa8: {  	s5 =	sshll.u32 s28, $0x1;
	[dreg:$0x2] =	wrdreg s3  }
0xa9: {  	[dreg:$0x3] =	wrdreg s5  }
0xaa: {  	[dreg:$0x4] =	wrdreg $0xC0  }
0xab: {  	_ =	task [dreg:s7], $0x5FFFF  }
0xac: {  	[dreg:$0x1] =	wrdreg $0xFFFFFFFF  }
0xad: {  	[dreg:$0x0] =	wrdreg $0x60  }
0xae: {  	[dreg:$0x2] =	wrdreg s24  }
0xaf: {  	[dreg:$0x3] =	wrdreg s2  }
0xb0: {  	[dreg:$0x4] =	wrdreg $0x62200  }
0xb1: {  	[dreg:$0x5] =	wrdreg $0x9  }
0xb2: {  	_ =	task.clear_ibuf [dreg:s7], $0x6FFFF;
	_ =	strace $0x9000004C  }
0xb3: {  	s29 =	simm.s32 $0x9;
	_ =	strace $0x8000004E  }
0xb4: {  	_ =	swait.ge [sflag:s29], $0x1  }
0xb5: {  	[sflag:s29] =	ssyncadd.s32 $0xFFFFFFFF  }
0xb6: {  	_ =	strace $0x9000004E  }
0xb7: {  	_ =	sfence  }
0xb8: {  	s30 =	sld [smem:$0x0];
	_ =	sdelay $0x2  }
0xb9: {  	s31 =	sshll.u32 s1, $0xD;
	s1 =	sshrl.u32 s1, $0x2  }
0xba: {  	s3 =	sand.u32 $0x4000, s31;
	s1 =	sadd.s32 s1, s30  }
0xbb: {  	s0 =	sor.u32 s3, s0;
	s1 =	sshll.u32 s1, $0x11  }
0xbc: {  	s0 =	sor.u32 s1, s0  }
0xbd: {  	s0 =	sadd.s32 $0x8F2B, s0  }
0xbe: {  	[sflag:s0] =	ssyncadd.remote.s32 $0x1  }
0xbf: {  	_ =	sfence.sel $0xFFFF  }
0xc0: {  	[dreg:$0x0] =	wrdreg $0xFFFFFFFF;
	(pc) =	sbr.abs _section_cstart, $3  }
0xc1: {  	[dreg:$0x1] =	wrdreg $0xFFFFFFFF  }
0xc2: {  	_ =	task.clear_ibuf [dreg:s7], $0x2FFFF;
	_ =	strace $0x9FFFFFFF  }
0xc3: {  	(tm) =	ssettm $0x7FFFFFFF  }
tec
execute0_lowered:
.L_overlay_start_1:
0x0: {  	(tag) =	ssettag $0x1  }
0x1: {  	s6 =	rddreg [dreg:$0x0]  }
0x2: {  	s7 =	rddreg [dreg:$0x1];
	s0 =	srdreg.scid  }
0x3: {  	s2 =	rddreg [dreg:$0x2];
	s1 =	stileid.u32  }
0x4: {  	s3 =	simm.s32 $0x0;
	s14 =	simm.s32 $0x50;
	s15 =	simm.s32 $0x4E20  }
0x5: {  	s16 =	simm.s32 $0x1;
	s5 =	sand.u32 $0x1, s0;
	s0 =	rddreg [dreg:$0x3]  }
0x6: {  	s17 =	simm.s32 $0x0;
	s8 =	smul.u32 $0x9E00, s1;
	[smem:$0x7FF] =	sst s3  }
0x7: {  	s31 =	sshll.u32 s1, $0x6;
	s4 =	sshll.u32 s5, $0x4;
	s9 =	smul.u32 $0x9E000, s5  }
0x8: {  	_ =	strace $0x8000004D;
	s12 =	ssub.s32 $0x2, s5;
	s5 =	sadd.s32 $0x21400, s6  }
0x9: {  	s4 =	sor.u32 s1, s4;
	s30 =	sshrl.u32 s12, $0x1;
	s13 =	sadd.s32 s8, s2  }
0xa: {  	s10 =	smul.u32 $0x4E2, s4;
	s4 =	sadd.s32 $0xDA00, s6;
	s9 =	sadd.s32 s8, s9  }
0xb: {  	s12 =	ssub.s32 s12, s30;
	s13 =	sshrl.u32 s13, $0x3;
	s9 =	sshrl.u32 s9, $0x3  }
0xc: {  	s11 =	sadd.s32 s10, s6;
	s9 =	sadd.s32 s9, s6;
	s6 =	sadd.s32 s7, s10  }
0xd: {  	s10 =	simm.s32 $0x2;
	s7 =	sadd.s32 $0x3C00, s11;
	s8 =	sadd.s32 $0x22800, s9  }
0xe: {  	s9 =	smax.u32 s12, $0x1;
	s11 =	simm.s32 $0x2710;
	s12 =	sor.u32 $0x1C02, s31  }
.LBB2_1:
0xf: {  	[tilespmem:s3], [sflag:$0x2] =	stream.linear.gather [hbm4b:s6+s3], $0x2710, $0x38;
	[tilespmem:$0x10020] =	vst v63  }
0x10: {  	_ =	swait.ge [sflag:s10], $0x2710  }
0x11: {  	[sflag:s10] =	ssyncset.done $0x0  }
0x12: {  	[sflag:s10] =	ssyncadd.s32 $0xFFFFD8F0  }
0x13: {  	[tilespmem:s11], [sflag:$0x2] =	stream.linear.gather [hbm4b:s7+s3], $0x2710, $0x38;
	[tilespmem:$0x10020] =	vst v63  }
0x14: {  	_ =	swait.ge [sflag:s10], $0x2710  }
0x15: {  	[sflag:s10] =	ssyncset.done $0x0  }
0x16: {  	[sflag:s10] =	ssyncadd.s32 $0xFFFFD8F0  }
0x17: {  	[spmem:s13], [sflag:s12] =	dma.local [hbm:s5], $0x13C0  }
0x18: {  	_ =	swait.ge [sflag:s10], $0x13C0  }
0x19: {  	[sflag:s10] =	ssyncset.done $0x0  }
0x1a: {  	[sflag:s10] =	ssyncadd.s32 $0xFFFFEC40  }
0x1b: {  	s18 =	simm.s32 $0x0;
	[bflag:$0x0] =	sbarrier.arrive $0xFFFF  }
0x1c: {  	[tilespmem:s15], [sflag:$0x1] =	stream.indirect.gather [hbm4b:s4+s14], $0x40, s18, s14, $0xb8;
	[tilespmem:$0x10020] =	vst v63  }
0x1d: {  	_ =	swait.ge [sflag:s16], $0x1400  }
0x1e: {  	[sflag:s16] =	ssyncset.done $0x0  }
0x1f: {  	s31 =	simm.s32 $0x2710;
	[sflag:s16] =	ssyncadd.s32 $0xFFFFEC00  }
0x20: {  	[spmem:s2] =	stream.indirect.scatter.add.f32 [tilespmem:s15], [sflag:$0x2], $0x40, s31, s14, $0xb8;
	[tilespmem:$0x10020] =	vst v63  }
0x21: {  	_ =	swait.ge [sflag:s10], $0x1400  }
0x22: {  	s19 =	simm.s32 $0x280;
	s18 =	simm.s32 $0x140;
	[sflag:s10] =	ssyncset.done $0x0  }
.LBB2_2:
0x23: {  	s20 =	sshra.s32 s18, $0x2  }
0x24: {  	[sflag:s10] =	ssyncadd.s32 $0xFFFFEC00;
	s18 =	smov.u32 s19;
	s21 =	sadd.s32 $0x140, s19  }
0x25: {  	[tilespmem:s15], [sflag:$0x1] =	stream.indirect.gather [hbm4b:s4+s14], $0x40, s20, s14, $0xb8;
	[tilespmem:$0x10020] =	vst v63  }
0x26: {  	p0 =	sne.s32 s19, $0x9B00;
	_ =	swait.ge [sflag:s16], $0x1400  }
.Ltmp0:
0x27: {  	[sflag:s16] =	ssyncset.done $0x0;
	(pc) =	sbr.rel @p0 .LBB2_2-.Ltmp0, $4  }
0x28: {  	s19 =	sadd.s32 $0x2710, s20;
	[sflag:s16] =	ssyncadd.s32 $0xFFFFEC00  }
0x29: {  	[spmem:s2] =	stream.indirect.scatter.add.f32 [tilespmem:s15], [sflag:$0x2], $0x40, s19, s14, $0xb8;
	[tilespmem:$0x10020] =	vst v63  }
0x2a: {  	_ =	swait.ge [sflag:s10], $0x1400  }
0x2b: {  	s19 =	smov.u32 s21;
	[sflag:s10] =	ssyncset.done $0x0  }
0x2c: {  	s18 =	sshra.s32 s18, $0x2;
	[sflag:s10] =	ssyncadd.s32 $0xFFFFEC00  }
0x2d: {  	[tilespmem:s15], [sflag:$0x1] =	stream.indirect.gather [hbm4b:s4+s14], $0x40, s18, s14, $0xb8;
	[tilespmem:$0x10020] =	vst v63  }
0x2e: {  	_ =	swait.ge [sflag:s16], $0x1400  }
0x2f: {  	[sflag:s16] =	ssyncset.done $0x0  }
0x30: {  	s18 =	sadd.s32 $0x2710, s18;
	[sflag:s16] =	ssyncadd.s32 $0xFFFFEC00  }
0x31: {  	[spmem:s2] =	stream.indirect.scatter.add.f32 [tilespmem:s15], [sflag:$0x2], $0x40, s18, s14, $0xb8;
	[tilespmem:$0x10020] =	vst v63  }
0x32: {  	_ =	swait.ge [sflag:s10], $0x1400  }
0x33: {  	s17 =	sadd.s32 $0x1, s17;
	[sflag:s10] =	ssyncset.done $0x0  }
0x34: {  	p0 =	sne.s32 s17, s9;
	[sflag:s10] =	ssyncadd.s32 $0xFFFFEC00  }
.Ltmp1:
0x35: {  	[bflag:$0x0] =	sbarrier.arrive $0xFFFF;
	(pc) =	sbr.rel @p0 .LBB2_1-.Ltmp1, $4  }
0x36: {  	[hbm:s8], [sflag:s12] =	dma.local [spmem:s13], $0x13C0  }
0x37: {  	_ =	swait.ge [sflag:s10], $0x13C0  }
0x38: {  	[sflag:s10] =	ssyncset.done $0x0  }
0x39: {  	[sflag:s10] =	ssyncadd.s32 $0xFFFFEC40  }
0x3a: {  	_ =	sfence.sel $0x180000  }
0x3b: {  	[bflag:$0x0] =	sbarrier.arrive $0xFFFF  }
0x3c: {  	p0 =	sne.s32 s1, $0x0;
	_ =	strace $0x9000004D  }
0x3d: {  	s0 =	sadd.s32 @!p0 $0x100000, s0;
	[bflag:$0x2] =	sbarrier.arrive $0xFFFF  }
0x3e: {  	[sflag:s0] =	ssyncadd.tile.s32 @!p0 $0x1;
	_ =	shalt  }
.Lfunc_end2:
_tile_overlayer_lowered:
.L_overlay_start_2:
0x3f: {  	(tag) =	ssettag $0x2  }
0x40: {  	s0 =	rddreg [dreg:$0x0];
	s2 =	stileid.u32  }
0x41: {  	s1 =	rddreg [dreg:$0x1];
	p0 =	sne.s32 s2, $0x0  }
0x42: {  	s3 =	rddreg [dreg:$0x2];
	[bflag:$0x3] =	sbarrier.arrive $0xFFFF;
	s2 =	simm.s32 @!p0 $0x1C02  }
0x43: {  	[timem:s3], [sflag:s2] =	dma.local @!p0 [hbm:s0], s1  }
0x44: {  	s0 =	simm.s32 @!p0 $0x2  }
0x45: {  	_ =	swait.ge @!p0 [sflag:s0], s1  }
0x46: {  	s1 =	ssub.s32 @!p0 $0x0, s1;
	[sflag:s0] =	ssyncset.done @!p0 $0x0  }
0x47: {  	[sflag:s0] =	ssyncadd.s32 @!p0 s1  }
0x48: {  	[bflag:$0x3] =	sbarrier.arrive $0xFFFF  }
0x49: {  	_ =	shalt  }

// kernel: kernel.9.cloned.1.call-start
scs
__scs_entry_jumppad:
0x0: {  	(pc) =	sbr.rel $0x88, $3  }
0x1: {  	(tag) =	ssettag $0x0;
	lr =	simm.s32 $0x1  }
0x2: {  	[smem:$0x3F93] =	sst lr;
	_ =	strace $0xD0000000  }
0x3: {  	_ = 	snop  }
0x4: {  	_ = 	snop  }
0x5: {  	_ = 	snop  }
0x6: {  	_ = 	snop  }
0x7: {  	_ = 	snop  }
__scs_overlays_trampoline_lowered:
0x8: {  	[smem:$0x3FA2] =	sst s0  }
0x9: {  	[smem:$0x3FA3] =	sst s1  }
0xa: {  	[smem:$0x3FA4] =	sst s2  }
0xb: {  	[smem:$0x3FA5] =	sst s3  }
0xc: {  	[smem:$0x3FA6] =	sst s4  }
0xd: {  	[smem:$0x3FA7] =	sst s5  }
0xe: {  	[smem:$0x3FA8] =	sst s6  }
0xf: {  	[smem:$0x3FA9] =	sst s7  }
0x10: {  	[smem:$0x3FAA] =	sst s8  }
0x11: {  	[smem:$0x3FAB] =	sst s9;
	s0 =	simm.s32 @!p0 $0x0  }
0x12: {  	s1 =	sld [smem:$0x3F91];
	s0 =	simm.s32 @p0 $0x1  }
0x13: {  	[smem:$0x3FAC] =	sst s0;
	s0 =	simm.s32 @!p1 $0x0  }
0x14: {  	s2 =	sld [smem:$0x3F90];
	s0 =	simm.s32 @p1 $0x1  }
0x15: {  	[smem:$0x3FAD] =	sst s0;
	s0 =	simm.s32 @!p2 $0x0  }
0x16: {  	s3 =	sld [smem:$0x3FDB];
	s0 =	simm.s32 @p2 $0x1  }
0x17: {  	s4 =	simm.s32 $0x1BF5;
	[smem:$0x3FAF] =	sst s0  }
0x18: {  	s0 =	sld [smem:$0x3F92];
	_ =	swait.ge [sflag:s4], $0x0  }
0x19: {  	s7 =	sld [smem:$0x3F93]  }
0x1a: {  	s8 =	sadd.s32 $0xFFFFE003, lr  }
0x1b: {  	s9 =	sadd.s32 $0xFFFFFEF7, lr;
	s5 =	simm.s32 $0xFFFFFFFF;
	p2 =	slt.u32 s8, $0xFFFFF086  }
0x1c: {  	p1 =	slt.u32 s9, $0xF7A;
	s5 =	simm.s32 @!p2 $0x0  }
0x1d: {  	s5 =	simm.s32 @p1 $0x1;
	p0 =	seq.s32 s7, s2  }
0x1e: {  	s7 =	smul.u32 @!p0 $0xF7A, s2;
	p2 =	seq.s32 @!p0 s5, $0x0  }
0x1f: {  	s9 =	smul.u32 $0xF7A, s1;
	s8 =	simm.s32 @!p0 $0x1BF5;
	p2 =	por !p2, p0  }
0x20: {  	[sflag:s8] =	ssyncset.s32 @!p0 $0xFFFFF086;
	s6 =	sadd.s32 @!p0 s3, s7;
	s7 =	simm.s32 @!p0 $0x108  }
0x21: {  	s3 =	sadd.s32 s3, s9;
	s6 =	sadd.s32 @!p0 $0x88, s6;
	s7 =	simm.s32 @p2 $0x1082  }
0x22: {  	[simem:s7], [sflag:s8] =	dma.local @!p0 [hbm:s6], $0xF7A  }
0x23: {  	s9 =	sor.u32 $0xD0000000, s2;
	s6 =	simm.s32 $0x108;
	_ =	swait.ge @!p0 [sflag:s8], $0x0  }
0x24: {  	s3 =	sadd.s32 $0x88, s3;
	s6 =	simm.s32 @!p1 $0x1082;
	[sflag:s4] =	ssyncset.s32 $0xFFFFF086  }
0x25: {  	[simem:s6], [sflag:s4] =	dma.local [hbm:s3], $0xF7A  }
0x26: {  	[smem:$0x3F93] =	sst s1;
	(tag) =	ssettag s2;
	_ =	strace s9  }
0x27: {  	s1 =	sld [smem:$0x3FA3]  }
0x28: {  	s2 =	sld [smem:$0x3FA4]  }
0x29: {  	s4 =	sld [smem:$0x3FA6]  }
0x2a: {  	p0 =	seq.s32 s5, $0x0;
	s5 =	sld [smem:$0x3FA7]  }
0x2b: {  	s6 =	sld [smem:$0x3FA8]  }
0x2c: {  	s7 =	sld [smem:$0x3FA9]  }
0x2d: {  	s3 =	simm.s32 $0x108;
	s8 =	sld [smem:$0x3FAA]  }
0x2e: {  	s3 =	simm.s32 @!p0 $0x1082;
	s9 =	sld [smem:$0x3FAB]  }
0x2f: {  	lr =	sadd.s32 s0, s3;
	s0 =	sld [smem:$0x3FA2]  }
0x30: {  	s3 =	sld [smem:$0x3FA5]  }
0x31: {  	[smem:$0x3FAE] =	sst s10  }
0x32: {  	s10 =	sld [smem:$0x3FAC];
	_ =	sdelay $0x3  }
0x33: {  	p0 =	seq.s32 s10, $0x1;
	s10 =	sld [smem:$0x3FAE];
	_ =	sdelay $0x3  }
0x34: {  	[smem:$0x3FAE] =	sst s10  }
0x35: {  	s10 =	sld [smem:$0x3FAD];
	_ =	sdelay $0x3  }
0x36: {  	p1 =	seq.s32 s10, $0x1;
	s10 =	sld [smem:$0x3FAE];
	_ =	sdelay $0x3  }
0x37: {  	[smem:$0x3FAE] =	sst s10  }
0x38: {  	s10 =	sld [smem:$0x3FAF]  }
0x39: {  	_ = 	snop;
	(pc) =	sbr.ind lr, $3  }
0x3a: {  	_ = 	snop  }
0x3b: {  	_ = 	snop  }
0x3c: {  	p2 =	seq.s32 s10, $0x1;
	s10 =	sld [smem:$0x3FAE]  }
0x3d: {  	_ =	shalt  }
0x3e: {  	_ =	shalt  }
0x3f: {  	_ =	shalt  }
0x40: {  	_ =	shalt  }
0x41: {  	_ =	shalt  }
0x42: {  	_ =	shalt  }
0x43: {  	_ =	shalt  }
0x44: {  	_ =	shalt  }
0x45: {  	_ =	shalt  }
0x46: {  	_ =	shalt  }
0x47: {  	_ =	shalt  }
0x48: {  	_ =	shalt  }
0x49: {  	_ =	shalt  }
0x4a: {  	_ =	shalt  }
0x4b: {  	_ =	shalt  }
0x4c: {  	_ =	shalt  }
0x4d: {  	_ =	shalt  }
0x4e: {  	_ =	shalt  }
0x4f: {  	_ =	shalt  }
0x50: {  	_ =	shalt  }
0x51: {  	_ =	shalt  }
0x52: {  	_ =	shalt  }
0x53: {  	_ =	shalt  }
0x54: {  	_ =	shalt  }
0x55: {  	_ =	shalt  }
0x56: {  	_ =	shalt  }
0x57: {  	_ =	shalt  }
0x58: {  	_ =	shalt  }
0x59: {  	_ =	shalt  }
0x5a: {  	_ =	shalt  }
0x5b: {  	_ =	shalt  }
0x5c: {  	_ =	shalt  }
0x5d: {  	_ =	shalt  }
0x5e: {  	_ =	shalt  }
0x5f: {  	_ =	shalt  }
0x60: {  	_ =	shalt  }
0x61: {  	_ =	shalt  }
0x62: {  	_ =	shalt  }
0x63: {  	_ =	shalt  }
0x64: {  	_ =	shalt  }
0x65: {  	_ =	shalt  }
0x66: {  	_ =	shalt  }
0x67: {  	_ =	shalt  }
0x68: {  	_ =	shalt  }
0x69: {  	_ =	shalt  }
0x6a: {  	_ =	shalt  }
0x6b: {  	_ =	shalt  }
0x6c: {  	_ =	shalt  }
0x6d: {  	_ =	shalt  }
0x6e: {  	_ =	shalt  }
0x6f: {  	_ =	shalt  }
0x70: {  	_ =	shalt  }
0x71: {  	_ =	shalt  }
0x72: {  	_ =	shalt  }
0x73: {  	_ =	shalt  }
0x74: {  	_ =	shalt  }
0x75: {  	_ =	shalt  }
0x76: {  	_ =	shalt  }
0x77: {  	_ =	shalt  }
0x78: {  	_ =	shalt  }
0x79: {  	_ =	shalt  }
0x7a: {  	_ =	shalt  }
0x7b: {  	_ =	shalt  }
0x7c: {  	_ =	shalt  }
0x7d: {  	_ =	shalt  }
0x7e: {  	_ =	shalt  }
0x7f: {  	_ =	shalt  }
0x80: {  	_ =	shalt  }
0x81: {  	_ =	shalt  }
0x82: {  	_ =	shalt  }
0x83: {  	_ =	shalt  }
0x84: {  	_ =	shalt  }
0x85: {  	_ =	shalt  }
0x86: {  	_ =	shalt  }
0x87: {  	_ =	shalt  }
.Lfunc_end0:
.L_simem_size_0:
called_computation_lowered:
.L_overlay_start_0:
0x88: {  	s2 =	sld [smem:$0x3FD9]  }
0x89: {  	s3 =	sld [smem:$0x3FFE];
	_ =	sdelay $0x1  }
0x8a: {  	s1 =	srdreg.scid  }
0x8b: {  	s0 =	sand.u32 $0x1, s1  }
0x8c: {  	s16 =	sshll.u32 s0, $0xA;
	s2 =	sadd.s32 s3, s2  }
0x8d: {  	s2 =	sadd.s32 s2, s16  }
0x8e: {  	[smem:$0x3FBA] =	sst s2  }
0x8f: {  	_ = 	snop  }
0x90: {  	(tm) =	ssettm $0x1  }
0x91: {  	s17 =	sld [smem:$0x3FFB];
	_ =	sdelay $0x3  }
0x92: {  	_ =	strace s17  }
0x93: {  	s2 =	sld [smem:$0x3FFC];
	_ =	sdelay $0x3  }
0x94: {  	_ =	strace s2  }
0x95: {  	s2 =	sld [smem:$0x3FFD];
	_ =	sdelay $0x3  }
0x96: {  	_ =	strace s2  }
0x97: {  	_ =	strace $0x8FFFFFFF  }
0x98: {  	s18 =	sld [smem:$0x3FDB];
	_ =	sdelay $0x1  }
0x99: {  	s19 =	simm.s32 $_scs_section_size  }
0x9a: {  	s4 =	simm.s32 $_size__tile_overlayer_lowered;
	s5 =	simm.s32 $_tile_overlayer_lowered  }
0x9b: {  	s22 =	simm.s32 $0x1BFF;
	s21 =	sshll.u32 s5, $0x1;
	s2 =	sadd.s32 s19, s18  }
0x9c: {  	s6 =	simm.s32 $0x0;
	s20 =	sshll.u32 s4, $0x1;
	s4 =	sadd.s32 s21, s2  }
0x9d: {  	[timem:s6], [sflag:s22] =	dma.local [hbm:s4], s20  }
0x9e: {  	_ =	swait.ge [sflag:s22], s20  }
0x9f: {  	s3 =	ssub.s32 $0x0, s20;
	[sflag:s22] =	ssyncset.done $0x0  }
0xa0: {  	[sflag:s22] =	ssyncadd.s32 s3;
	_ =	sdelay $0x1  }
0xa1: {  	s23 =	simm.s32 $0x1B8B  }
0xa2: {  	_ =	swait.ge [sflag:s23], $0x1  }
0xa3: {  	[sflag:s23] =	ssyncset.done $0x0  }
0xa4: {  	s25 =	simm.s32 $0x1B8E;
	s24 =	sld [smem:$0x3FFE];
	[sflag:s23] =	ssyncadd.s32 $0xFFFFFFFF  }
0xa5: {  	s26 =	simm.s32 $execute0_lowered;
	[smem:$0x3FD2] =	sst s25  }
0xa6: {  	s4 =	sshll.u32 s26, $0x1;
	_ =	strace $0x80000046;
	[dreg:$0x1] =	wrdreg $0xFFFFFFFF  }
0xa7: {  	s28 =	simm.s32 $_size_execute0_lowered;
	s2 =	sadd.s32 s2, s4;
	[dreg:$0x0] =	wrdreg $0x0  }
0xa8: {  	s4 =	sshll.u32 s28, $0x1;
	[dreg:$0x2] =	wrdreg s2  }
0xa9: {  	[dreg:$0x3] =	wrdreg s4  }
0xaa: {  	[dreg:$0x4] =	wrdreg $0xC0  }
0xab: {  	_ =	task [dreg:s6], $0x5FFFF  }
0xac: {  	[dreg:$0x1] =	wrdreg $0xFFFFFFFF  }
0xad: {  	[dreg:$0x0] =	wrdreg $0x60  }
0xae: {  	[dreg:$0x2] =	wrdreg s24  }
0xaf: {  	[dreg:$0x3] =	wrdreg $0xA8000  }
0xb0: {  	[dreg:$0x4] =	wrdreg $0x9  }
0xb1: {  	_ =	task.clear_ibuf [dreg:s6], $0x5FFFF;
	_ =	strace $0x90000046  }
0xb2: {  	s29 =	simm.s32 $0x9;
	_ =	strace $0x80000048  }
0xb3: {  	_ =	swait.ge [sflag:s29], $0x1  }
0xb4: {  	[sflag:s29] =	ssyncadd.s32 $0xFFFFFFFF  }
0xb5: {  	_ =	strace $0x90000048  }
0xb6: {  	_ =	sfence  }
0xb7: {  	s30 =	sld [smem:$0x0];
	_ =	sdelay $0x2  }
0xb8: {  	s31 =	sshll.u32 s1, $0xD;
	s1 =	sshrl.u32 s1, $0x2  }
0xb9: {  	s3 =	sand.u32 $0x4000, s31;
	s1 =	sadd.s32 s1, s30  }
0xba: {  	s0 =	sor.u32 s3, s0;
	s1 =	sshll.u32 s1, $0x11  }
0xbb: {  	s0 =	sor.u32 s1, s0  }
0xbc: {  	s0 =	sadd.s32 $0x8F2B, s0  }
0xbd: {  	[sflag:s0] =	ssyncadd.remote.s32 $0x1  }
0xbe: {  	_ =	sfence.sel $0xFFFF  }
0xbf: {  	[dreg:$0x0] =	wrdreg $0xFFFFFFFF;
	(pc) =	sbr.abs _section_cstart, $3  }
0xc0: {  	[dreg:$0x1] =	wrdreg $0xFFFFFFFF  }
0xc1: {  	_ =	task.clear_ibuf [dreg:s6], $0x2FFFF;
	_ =	strace $0x9FFFFFFF  }
0xc2: {  	(tm) =	ssettm $0x7FFFFFFF  }
0xc3: {  	_ =	shalt  }
tec
execute0_lowered:
.L_overlay_start_1:
0x0: {  	(tag) =	ssettag $0x1  }
0x1: {  	s6 =	rddreg [dreg:$0x0]  }
0x2: {  	s1 =	rddreg [dreg:$0x1]  }
0x3: {  	s0 =	rddreg [dreg:$0x2]  }
0x4: {  	s3 =	simm.s32 $0x0;
	s2 =	srdreg.scid;
	s14 =	simm.s32 $0x50  }
0x5: {  	s15 =	simm.s32 $0x8000;
	s16 =	simm.s32 $0x1;
	s17 =	simm.s32 $0x0  }
0x6: {  	[smem:$0x7FF] =	sst s3;
	s5 =	sand.u32 $0x1, s2;
	s2 =	stileid.u32  }
0x7: {  	s4 =	sadd.s32 $0x2DA00, s6;
	s7 =	smul.u32 $0x13C000, s5;
	s8 =	sshll.u32 s5, $0xF  }
0x8: {  	s9 =	sshll.u32 s2, $0xB;
	s10 =	smul.u32 $0x13C00, s2;
	_ =	strace $0x80000047  }
0x9: {  	s28 =	ssub.s32 $0x2, s5;
	s11 =	smul.u32 $0x4F000, s2;
	s5 =	sadd.s32 $0x54C00, s6  }
0xa: {  	s31 =	sshll.u32 s2, $0x6;
	s8 =	sor.u32 s9, s8;
	s29 =	sshrl.u32 s28, $0x1  }
0xb: {  	s8 =	sadd.s32 s8, s6;
	s7 =	sadd.s32 s10, s7;
	s9 =	ssub.s32 s28, s29  }
0xc: {  	s30 =	sshrl.u32 s11, $0x2;
	s10 =	simm.s32 $0x2;
	s11 =	simm.s32 $0x4000  }
0xd: {  	s7 =	sshrl.u32 s7, $0x3;
	s13 =	sadd.s32 s30, s1;
	s9 =	smax.u32 s9, $0x1  }
0xe: {  	s12 =	sadd.s32 s7, s6;
	s6 =	sadd.s32 $0xDA00, s8;
	s7 =	sadd.s32 $0x1DA00, s8  }
0xf: {  	s13 =	sshrl.u32 s13, $0x3;
	s8 =	sadd.s32 $0x57400, s12;
	s12 =	sor.u32 $0x1C02, s31  }
.LBB2_1:
0x10: {  	[tilespmem:s3], [sflag:$0x2] =	stream.linear.gather [hbm4b:s6+s3], $0x3E80, $0x38;
	[tilespmem:$0x1E400] =	vst v63  }
0x11: {  	_ =	swait.ge [sflag:s10], $0x3E80  }
0x12: {  	[sflag:s10] =	ssyncset.done $0x0  }
0x13: {  	[sflag:s10] =	ssyncadd.s32 $0xFFFFC180  }
0x14: {  	[tilespmem:s11], [sflag:$0x2] =	stream.linear.gather [hbm4b:s7+s3], $0x3E80, $0x38;
	[tilespmem:$0x1E400] =	vst v63  }
0x15: {  	_ =	swait.ge [sflag:s10], $0x3E80  }
0x16: {  	[sflag:s10] =	ssyncset.done $0x0  }
0x17: {  	[sflag:s10] =	ssyncadd.s32 $0xFFFFC180  }
0x18: {  	[spmem:s13], [sflag:s12] =	dma.local [hbm:s5], $0x2780  }
0x19: {  	_ =	swait.ge [sflag:s10], $0x2780  }
0x1a: {  	[sflag:s10] =	ssyncset.done $0x0  }
0x1b: {  	[sflag:s10] =	ssyncadd.s32 $0xFFFFD880  }
0x1c: {  	s18 =	simm.s32 $0x0;
	[bflag:$0x0] =	sbarrier.arrive $0xFFFF  }
0x1d: {  	[tilespmem:s15], [sflag:$0x1] =	stream.indirect.gather [hbm4b:s4+s14], $0x80, s18, s14, $0xb8;
	[tilespmem:$0x1E400] =	vst v63  }
0x1e: {  	_ =	swait.ge [sflag:s16], $0x2800  }
0x1f: {  	[sflag:s16] =	ssyncset.done $0x0  }
0x20: {  	s31 =	simm.s32 $0x4000;
	[sflag:s16] =	ssyncadd.s32 $0xFFFFD800  }
0x21: {  	[spmem:s1] =	stream.indirect.scatter.add.f32 [tilespmem:s15], [sflag:$0x2], $0x80, s31, s14, $0xb8;
	[tilespmem:$0x1E400] =	vst v63  }
0x22: {  	_ =	swait.ge [sflag:s10], $0x2800  }
0x23: {  	s19 =	simm.s32 $0x400;
	s18 =	simm.s32 $0x200;
	[sflag:s10] =	ssyncset.done $0x0  }
.LBB2_2:
0x24: {  	s20 =	sshra.s32 s18, $0x2  }
0x25: {  	[sflag:s10] =	ssyncadd.s32 $0xFFFFD800;
	s18 =	smov.u32 s19;
	s21 =	sadd.s32 $0x200, s19  }
0x26: {  	[tilespmem:s15], [sflag:$0x1] =	stream.indirect.gather [hbm4b:s4+s14], $0x80, s20, s14, $0xb8;
	[tilespmem:$0x1E400] =	vst v63  }
0x27: {  	p0 =	sne.s32 s19, $0xF800;
	_ =	swait.ge [sflag:s16], $0x2800  }
.Ltmp0:
0x28: {  	[sflag:s16] =	ssyncset.done $0x0;
	(pc) =	sbr.rel @p0 .LBB2_2-.Ltmp0, $4  }
0x29: {  	s19 =	sadd.s32 $0x4000, s20;
	[sflag:s16] =	ssyncadd.s32 $0xFFFFD800  }
0x2a: {  	[spmem:s1] =	stream.indirect.scatter.add.f32 [tilespmem:s15], [sflag:$0x2], $0x80, s19, s14, $0xb8;
	[tilespmem:$0x1E400] =	vst v63  }
0x2b: {  	_ =	swait.ge [sflag:s10], $0x2800  }
0x2c: {  	s19 =	smov.u32 s21;
	[sflag:s10] =	ssyncset.done $0x0  }
0x2d: {  	s18 =	sshra.s32 s18, $0x2;
	[sflag:s10] =	ssyncadd.s32 $0xFFFFD800  }
0x2e: {  	[tilespmem:s15], [sflag:$0x1] =	stream.indirect.gather [hbm4b:s4+s14], $0x80, s18, s14, $0xb8;
	[tilespmem:$0x1E400] =	vst v63  }
0x2f: {  	_ =	swait.ge [sflag:s16], $0x2800  }
0x30: {  	[sflag:s16] =	ssyncset.done $0x0  }
0x31: {  	s18 =	sadd.s32 $0x4000, s18;
	[sflag:s16] =	ssyncadd.s32 $0xFFFFD800  }
0x32: {  	[spmem:s1] =	stream.indirect.scatter.add.f32 [tilespmem:s15], [sflag:$0x2], $0x80, s18, s14, $0xb8;
	[tilespmem:$0x1E400] =	vst v63  }
0x33: {  	_ =	swait.ge [sflag:s10], $0x2800  }
0x34: {  	s17 =	sadd.s32 $0x1, s17;
	[sflag:s10] =	ssyncset.done $0x0  }
0x35: {  	p0 =	sne.s32 s17, s9;
	[sflag:s10] =	ssyncadd.s32 $0xFFFFD800  }
.Ltmp1:
0x36: {  	[bflag:$0x0] =	sbarrier.arrive $0xFFFF;
	(pc) =	sbr.rel @p0 .LBB2_1-.Ltmp1, $4  }
0x37: {  	[hbm:s8], [sflag:s12] =	dma.local [spmem:s13], $0x2780  }
0x38: {  	_ =	swait.ge [sflag:s10], $0x2780  }
0x39: {  	[sflag:s10] =	ssyncset.done $0x0  }
0x3a: {  	[sflag:s10] =	ssyncadd.s32 $0xFFFFD880  }
0x3b: {  	_ =	sfence.sel $0x180000  }
0x3c: {  	[bflag:$0x0] =	sbarrier.arrive $0xFFFF  }
0x3d: {  	p0 =	sne.s32 s2, $0x0;
	_ =	strace $0x90000047  }
0x3e: {  	s0 =	sadd.s32 @!p0 $0x100000, s0;
	[bflag:$0x2] =	sbarrier.arrive $0xFFFF  }
0x3f: {  	[sflag:s0] =	ssyncadd.tile.s32 @!p0 $0x1;
	_ =	shalt  }
.Lfunc_end2:
_tile_overlayer_lowered:
.L_overlay_start_2:
0x40: {  	(tag) =	ssettag $0x2  }
0x41: {  	s0 =	rddreg [dreg:$0x0];
	s2 =	stileid.u32  }
0x42: {  	s1 =	rddreg [dreg:$0x1];
	p0 =	sne.s32 s2, $0x0  }
0x43: {  	s3 =	rddreg [dreg:$0x2];
	[bflag:$0x3] =	sbarrier.arrive $0xFFFF;
	s2 =	simm.s32 @!p0 $0x1C02  }
0x44: {  	[timem:s3], [sflag:s2] =	dma.local @!p0 [hbm:s0], s1  }
0x45: {  	s0 =	simm.s32 @!p0 $0x2  }
0x46: {  	_ =	swait.ge @!p0 [sflag:s0], s1  }
0x47: {  	s1 =	ssub.s32 @!p0 $0x0, s1;
	[sflag:s0] =	ssyncset.done @!p0 $0x0  }
0x48: {  	[sflag:s0] =	ssyncadd.s32 @!p0 s1  }
0x49: {  	[bflag:$0x3] =	sbarrier.arrive $0xFFFF  }
0x4a: {  	_ =	shalt  }

</sc_bundles>
